<compile_context>
chip_gen: v7x
topology: tpu7x:2x2x1
jax: 0.10.2.dev20260603
libtpu: 0.0.44.dev20260713+nightly
codegen_flags: <defaults>
</compile_context>

<pallas_src>
import functools

import jax
import jax.numpy as jnp
from jax import lax
from jax.experimental import pallas as pl
from jax.experimental.pallas import tpu as pltpu
from jax.experimental.pallas import tpu_sc as plsc

N_NEURONS = 64
TABLE_SIZE = 65536
BATCH = 4096

NUM_CORES = 2
NUM_SUBCORES = 16
LANES = 16
NUM_WORKERS = NUM_CORES * NUM_SUBCORES
BPW = BATCH // NUM_WORKERS
JV = BPW // LANES


ROWS_PER_CHUNK = 4
CHUNK = ROWS_PER_CHUNK * BPW
N_CHUNKS = N_NEURONS // ROWS_PER_CHUNK


def _sc_body(data_hbm, sums_hbm, counts_hbm, out_hbm,
             st_v, idx_v, gs_v, gc_v, out_v, sem_s, sem_c):
    c = lax.axis_index("c")
    s = lax.axis_index("s")
    wid = s * NUM_CORES + c
    base = wid * BPW

    pltpu.sync_copy(data_hbm.at[:, pl.ds(base, BPW)], st_v)

    def fire(k, carry):
        for r in range(ROWS_PER_CHUNK):
            n = k * ROWS_PER_CHUNK + r
            row_base = (n // 8) * (8 * TABLE_SIZE) + (n % 8) * 128
            for j in range(JV):
                a = st_v[n, pl.ds(j * LANES, LANES)]
                idx_v[pl.ds(n * BPW + j * LANES, LANES)] = (
                    ((a >> 7) << 10) + (a & 127)
                    + jnp.full((LANES,), row_base, dtype=jnp.int32)
                )
        sl = pl.ds(k * CHUNK, CHUNK)
        pltpu.async_copy(sums_hbm.at[idx_v.at[sl]], gs_v.at[sl], sem_s)
        pltpu.async_copy(counts_hbm.at[idx_v.at[sl]], gc_v.at[sl], sem_c)
        return carry

    lax.fori_loop(0, N_CHUNKS, fire, 0)

    def drain(tbl_hbm, g_v, sem):
        def body(k, carry):
            sl = pl.ds(k * CHUNK, CHUNK)
            pltpu.make_async_copy(
                tbl_hbm.at[idx_v.at[sl]], g_v.at[sl], sem).wait()
            return carry
        lax.fori_loop(0, N_CHUNKS, body, 0)

    def accumulate(g_ref):
        def body(n, carry):
            return tuple(
                carry[j] + g_ref[pl.ds(n * BPW + j * LANES, LANES)]
                for j in range(JV)
            )
        zero = tuple(jnp.zeros((LANES,), jnp.float32) for _ in range(JV))
        return lax.fori_loop(0, N_NEURONS, body, zero)

    drain(sums_hbm, gs_v, sem_s)
    resp = accumulate(gs_v)
    drain(counts_hbm, gc_v, sem_c)
    cnt = accumulate(gc_v)

    for j in range(JV):
        safe = cnt[j] > 0.0
        denom = jnp.where(safe, cnt[j], jnp.ones((LANES,), jnp.float32))
        out_v[pl.ds(j * LANES, LANES)] = jnp.where(
            safe, resp[j] / denom, jnp.zeros((LANES,), jnp.float32))
    pltpu.sync_copy(out_v, out_hbm.at[pl.ds(base, BPW)])


@functools.partial(
    pl.kernel,
    out_type=jax.ShapeDtypeStruct((BATCH,), jnp.float32),
    mesh=plsc.VectorSubcoreMesh(core_axis_name="c", subcore_axis_name="s"),
    scratch_types=[
        pltpu.VMEM((N_NEURONS, BPW), jnp.int32),
        pltpu.VMEM((N_NEURONS * BPW,), jnp.int32),
        pltpu.VMEM((N_NEURONS * BPW,), jnp.float32),
        pltpu.VMEM((N_NEURONS * BPW,), jnp.float32),
        pltpu.VMEM((BPW,), jnp.float32),
        pltpu.SemaphoreType.DMA,
        pltpu.SemaphoreType.DMA,
    ],
)
def _wisard_sc(*refs):
    _sc_body(*refs)


def _as_linear(x):
    return x.reshape(8, 8, 512, 128).transpose(0, 2, 1, 3).reshape(-1)


def kernel(data, sums, counts):
    return _wisard_sc(data, _as_linear(sums), _as_linear(counts))

# --- scband reference (transcript-rebuilt; emitter-appended) ---
"""Pipeline reference for scband-regression-wisard-61100204752929 (READ-ONLY COPY).

The authoritative reference and input builder live on the scoring server;
editing this copy changes nothing except your own understanding.
"""

import jax, jax.numpy as jnp
import numpy as np

N_NEURONS = 64
TABLE_SIZE = 65536  # 2 ** addressSize (addressSize = 16)
BATCH = 4096


def setup_inputs(seed: int = 0) -> dict:
    key = jax.random.key(seed)
    k1, k2, k3 = jax.random.split(key, 3)
    # addresses: one RAM address per (neuron, sample). int32 is safe (< 2^16).
    addresses = jax.random.randint(k1, (N_NEURONS, BATCH), 0, TABLE_SIZE, dtype=jnp.int32)
    # Dense materialization of the per-neuron dict memories:
    #   counts[n, a] = number of training writes to address a of neuron n (0 => untrained)
    #   sums[n, a]   = accumulated regression targets written at that address
    counts = jax.random.randint(k2, (N_NEURONS, TABLE_SIZE), 0, 8).astype(jnp.float32)
    sums = jax.random.normal(k3, (N_NEURONS, TABLE_SIZE), dtype=jnp.float32) * counts
    return {"data": addresses, "sums": sums, "counts": counts}


def reference(data, sums, counts):
    # Faithful JAX translation of Discriminator.calculate_mean (RegressionWisard
    # predict with centrality='mean'). For each sample i:
    #   response[i] = sum over neurons of sums[n, addr]   (only trained addresses)
    #   counters[i] = sum over neurons of counts[n, addr] (only trained addresses)
    #   out[i] = nan_to_num(response[i] / counters[i])
    g_sums = jnp.take_along_axis(sums, data, axis=1)      # [N_NEURONS, BATCH]
    g_counts = jnp.take_along_axis(counts, data, axis=1)  # [N_NEURONS, BATCH]
    trained = g_counts > 0  # isin(addresses, trained_tuples): dict hit <=> count > 0
    response = jnp.sum(jnp.where(trained, g_sums, 0.0), axis=0)    # [BATCH]
    counters = jnp.sum(jnp.where(trained, g_counts, 0.0), axis=0)  # [BATCH]
    safe = counters > 0
    out = jnp.where(safe, response / jnp.where(safe, counters, 1.0), 0.0)
    return out

if __name__ == "__main__":
    import jax
    _d = setup_inputs()
    print(jax.jit(kernel)(*tuple(_d.values())))

</pallas_src>

<mosaic_0001>
#map = affine_map<(d0, d1) -> (0, 0)>
#map1 = affine_map<(d0, d1) -> (0)>
module attributes {stable_mosaic.version = 14 : i64} {
  func.func @_wisard_sc(%arg0: i32, %arg1: i32, %arg2: memref<64x4096xi32, #tpu.memory_space<hbm>>, %arg3: memref<4194304xf32, #tpu.memory_space<hbm>>, %arg4: memref<4194304xf32, #tpu.memory_space<hbm>>, %arg5: memref<4096xf32, #tpu.memory_space<hbm>>, %arg6: memref<64x128xi32, #tpu.memory_space<vmem>>, %arg7: memref<8192xi32, #tpu.memory_space<vmem>>, %arg8: memref<8192xf32, #tpu.memory_space<vmem>>, %arg9: memref<8192xf32, #tpu.memory_space<vmem>>, %arg10: memref<128xf32, #tpu.memory_space<vmem>>, %arg11: memref<!tpu.dma_semaphore, #tpu.memory_space<semaphore_mem>>, %arg12: memref<!tpu.dma_semaphore, #tpu.memory_space<semaphore_mem>>) attributes {dimension_semantics = [#tpu.dimension_semantics<core_parallel>, #tpu.dimension_semantics<subcore_parallel>], iteration_bounds = array<i64: 2, 16>, scalar_prefetch = 0 : i64, scratch_operands = 7 : i64, tpu.core_type = #tpu.core_type<sc_vector_subcore>, window_params = [{transform_indices = #map}, {transform_indices = #map1}, {transform_indices = #map1}, {transform_indices = #map1}]} {
    %mul3A = arith.constant 2 : i32
    %mul3A_0 = arith.muli %arg1, %mul3A : i32
    %add3A = arith.addi %mul3A_0, %arg0 : i32
    %mul3A_1 = arith.constant 128 : i32
    %mul3A_2 = arith.muli %add3A, %mul3A_1 : i32
    "tpu.region"() ({
      %run_scoped3A = tpu.sem_alloc : memref<!tpu.dma_semaphore, #tpu.memory_space<semaphore_mem>>
      %dma_start3A = arith.constant 0 : i32
      %dma_start3A_171 = tpu.memref_slice %arg2[%dma_start3A, %mul3A_2] : memref<64x4096xi32, #tpu.memory_space<hbm>> -> memref<64x128xi32, #tpu.memory_space<hbm>>
      %dma_start3A_172 = arith.constant 0 : i32
      %dma_start3A_173 = tpu.memref_slice %arg2[%dma_start3A_172, %mul3A_2] : memref<64x4096xi32, #tpu.memory_space<hbm>> -> memref<64x128xi32, #tpu.memory_space<hbm>>
      tpu.enqueue_dma source(%dma_start3A_173 : memref<64x128xi32, #tpu.memory_space<hbm>>) target(%arg6 : memref<64x128xi32, #tpu.memory_space<vmem>>) target_semaphore(%run_scoped3A : memref<!tpu.dma_semaphore, #tpu.memory_space<semaphore_mem>>)
      %dma_wait3A = arith.constant 0 : i32
      %dma_wait3A_174 = tpu.memref_slice %arg2[%dma_wait3A, %mul3A_2] : memref<64x4096xi32, #tpu.memory_space<hbm>> -> memref<64x128xi32, #tpu.memory_space<hbm>>
      %dma_wait3A_175 = arith.constant 0 : i32
      %dma_wait3A_176 = tpu.memref_slice %arg2[%dma_wait3A_175, %mul3A_2] : memref<64x4096xi32, #tpu.memory_space<hbm>> -> memref<64x128xi32, #tpu.memory_space<hbm>>
      tpu.wait_dma2 semaphore(%run_scoped3A : memref<!tpu.dma_semaphore, #tpu.memory_space<semaphore_mem>>) src(%dma_wait3A_176 : memref<64x128xi32, #tpu.memory_space<hbm>>) dst(%arg6 : memref<64x128xi32, #tpu.memory_space<vmem>>)
      tpu.yield
    }) : () -> ()
    %scan3A = arith.constant 0 : i32
    %scan3A_3 = arith.constant 0 : i32
    %scan3A_4 = arith.constant 16 : i32
    %scan3A_5 = arith.addi %scan3A_3, %scan3A_4 : i32
    %scan3A_6 = arith.constant 1 : i32
    scf.for %scan3A_171 = %scan3A_3 to %scan3A_5 step %scan3A_6  : i32 {
      %mul3A_172 = arith.constant 4 : i32
      %mul3A_173 = arith.muli %scan3A_171, %mul3A_172 : i32
      %add3A_174 = arith.constant 0 : i32
      %add3A_175 = arith.addi %mul3A_173, %add3A_174 : i32
      %jit3A = arith.constant 8 : i32
      %div3A_176 = arith.divsi %add3A_175, %jit3A : i32
      %sign3A = arith.constant 0 : i32
      %sign3A_177 = arith.cmpi sgt, %add3A_175, %sign3A : i32
      %sign3A_178 = arith.extui %sign3A_177 : i1 to i32
      %sign3A_179 = arith.constant 0 : i32
      %sign3A_180 = arith.cmpi slt, %add3A_175, %sign3A_179 : i32
      %sign3A_181 = arith.extui %sign3A_180 : i1 to i32
      %sign3A_182 = arith.subi %sign3A_178, %sign3A_181 : i32
      %sign3A_183 = arith.constant 0 : i32
      %sign3A_184 = arith.cmpi sgt, %jit3A, %sign3A_183 : i32
      %sign3A_185 = arith.extui %sign3A_184 : i1 to i32
      %sign3A_186 = arith.constant 0 : i32
      %sign3A_187 = arith.cmpi slt, %jit3A, %sign3A_186 : i32
      %sign3A_188 = arith.extui %sign3A_187 : i1 to i32
      %sign3A_189 = arith.subi %sign3A_185, %sign3A_188 : i32
      %ne3A = arith.cmpi ne, %sign3A_182, %sign3A_189 : i32
      %rem3A = arith.remsi %add3A_175, %jit3A : i32
      %ne3A_190 = arith.constant 0 : i32
      %ne3A_191 = arith.cmpi ne, %rem3A, %ne3A_190 : i32
      %and3A = arith.andi %ne3A, %ne3A_191 : i1
      %sub3A = arith.constant 1 : i32
      %sub3A_192 = arith.subi %div3A_176, %sub3A : i32
      %select_n3A_193 = arith.select %and3A, %sub3A_192, %div3A_176 : i32
      %mul3A_194 = arith.constant 524288 : i32
      %mul3A_195 = arith.muli %select_n3A_193, %mul3A_194 : i32
      %jit3A_196 = arith.constant 8 : i32
      %eq3A = arith.constant 0 : i32
      %eq3A_197 = arith.cmpi eq, %jit3A_196, %eq3A : i32
      %jit3A_198 = arith.constant 1 : i32
      %select_n3A_199 = arith.select %eq3A_197, %jit3A_198, %jit3A_196 : i32
      %rem3A_200 = arith.remsi %add3A_175, %select_n3A_199 : i32
      %ne3A_201 = arith.constant 0 : i32
      %ne3A_202 = arith.cmpi ne, %rem3A_200, %ne3A_201 : i32
      %lt3A = arith.constant 0 : i32
      %lt3A_203 = arith.cmpi slt, %rem3A_200, %lt3A : i32
      %lt3A_204 = arith.constant 0 : i32
      %lt3A_205 = arith.cmpi slt, %select_n3A_199, %lt3A_204 : i32
      %ne3A_206 = arith.xori %lt3A_203, %lt3A_205 : i1
      %and3A_207 = arith.andi %ne3A_206, %ne3A_202 : i1
      %add3A_208 = arith.addi %rem3A_200, %select_n3A_199 : i32
      %select_n3A_209 = arith.select %and3A_207, %add3A_208, %rem3A_200 : i32
      %mul3A_210 = arith.constant 128 : i32
      %mul3A_211 = arith.muli %select_n3A_209, %mul3A_210 : i32
      %add3A_212 = arith.addi %mul3A_195, %mul3A_211 : i32
      %get3A = arith.index_cast %add3A_175 : i32 to index
      %get3A_213 = arith.constant 0 : index
      %get3A_214 = tpu.vector_load %arg6[%get3A, %get3A_213] {strides = array<i32>} : memref<64x128xi32, #tpu.memory_space<vmem>>, vector<1x16xi32>,
      %get3A_215 = vector.shape_cast %get3A_214 : vector<1x16xi32> to vector<16xi32>
      %shift_right_arithmetic3A = arith.constant 7 : i32
      %shift_right_arithmetic3A_216 = vector.broadcast %shift_right_arithmetic3A : i32 to vector<16xi32>
      %shift_right_arithmetic3A_217 = arith.shrsi %get3A_215, %shift_right_arithmetic3A_216 : vector<16xi32>
      %shift_left3A = arith.constant 10 : i32
      %shift_left3A_218 = vector.broadcast %shift_left3A : i32 to vector<16xi32>
      %shift_left3A_219 = arith.shli %shift_right_arithmetic3A_217, %shift_left3A_218 : vector<16xi32>
      %and3A_220 = arith.constant 127 : i32
      %and3A_221 = vector.broadcast %and3A_220 : i32 to vector<16xi32>
      %and3A_222 = arith.andi %get3A_215, %and3A_221 : vector<16xi32>
      %add3A_223 = arith.addi %shift_left3A_219, %and3A_222 : vector<16xi32>
      %broadcast_in_dim3A_224 = vector.broadcast %add3A_212 : i32 to vector<16xi32>
      %add3A_225 = arith.addi %add3A_223, %broadcast_in_dim3A_224 : vector<16xi32>
      %mul3A_226 = arith.constant 128 : i32
      %mul3A_227 = arith.muli %add3A_175, %mul3A_226 : i32
      %add3A_228 = arith.constant 0 : i32
      %add3A_229 = arith.addi %mul3A_227, %add3A_228 : i32
      %swap3A_230 = arith.index_cast %add3A_229 : i32 to index
      %swap3A_231 = tpu.vector_load %arg7[%swap3A_230] {strides = array<i32>} : memref<8192xi32, #tpu.memory_space<vmem>>, vector<16xi32>,
      %swap3A_232 = vector.shape_cast %swap3A_231 : vector<16xi32> to vector<16xi32>
      %swap3A_233 = vector.shape_cast %add3A_225 : vector<16xi32> to vector<16xi32>
      tpu.vector_store %arg7[%swap3A_230], %swap3A_233 {strides = array<i32>} : memref<8192xi32, #tpu.memory_space<vmem>>, vector<16xi32>,
      %get3A_234 = arith.index_cast %add3A_175 : i32 to index
      %get3A_235 = arith.constant 16 : index
      %get3A_236 = tpu.vector_load %arg6[%get3A_234, %get3A_235] {strides = array<i32>} : memref<64x128xi32, #tpu.memory_space<vmem>>, vector<1x16xi32>,
      %get3A_237 = vector.shape_cast %get3A_236 : vector<1x16xi32> to vector<16xi32>
      %shift_right_arithmetic3A_238 = arith.constant 7 : i32
      %shift_right_arithmetic3A_239 = vector.broadcast %shift_right_arithmetic3A_238 : i32 to vector<16xi32>
      %shift_right_arithmetic3A_240 = arith.shrsi %get3A_237, %shift_right_arithmetic3A_239 : vector<16xi32>
      %shift_left3A_241 = arith.constant 10 : i32
      %shift_left3A_242 = vector.broadcast %shift_left3A_241 : i32 to vector<16xi32>
      %shift_left3A_243 = arith.shli %shift_right_arithmetic3A_240, %shift_left3A_242 : vector<16xi32>
      %and3A_244 = arith.constant 127 : i32
      %and3A_245 = vector.broadcast %and3A_244 : i32 to vector<16xi32>
      %and3A_246 = arith.andi %get3A_237, %and3A_245 : vector<16xi32>
      %add3A_247 = arith.addi %shift_left3A_243, %and3A_246 : vector<16xi32>
      %broadcast_in_dim3A_248 = vector.broadcast %add3A_212 : i32 to vector<16xi32>
      %add3A_249 = arith.addi %add3A_247, %broadcast_in_dim3A_248 : vector<16xi32>
      %mul3A_250 = arith.constant 128 : i32
      %mul3A_251 = arith.muli %add3A_175, %mul3A_250 : i32
      %add3A_252 = arith.constant 16 : i32
      %add3A_253 = arith.addi %mul3A_251, %add3A_252 : i32
      %swap3A_254 = arith.index_cast %add3A_253 : i32 to index
      %swap3A_255 = tpu.vector_load %arg7[%swap3A_254] {strides = array<i32>} : memref<8192xi32, #tpu.memory_space<vmem>>, vector<16xi32>,
      %swap3A_256 = vector.shape_cast %swap3A_255 : vector<16xi32> to vector<16xi32>
      %swap3A_257 = vector.shape_cast %add3A_249 : vector<16xi32> to vector<16xi32>
      tpu.vector_store %arg7[%swap3A_254], %swap3A_257 {strides = array<i32>} : memref<8192xi32, #tpu.memory_space<vmem>>, vector<16xi32>,
      %get3A_258 = arith.index_cast %add3A_175 : i32 to index
      %get3A_259 = arith.constant 32 : index
      %get3A_260 = tpu.vector_load %arg6[%get3A_258, %get3A_259] {strides = array<i32>} : memref<64x128xi32, #tpu.memory_space<vmem>>, vector<1x16xi32>,
      %get3A_261 = vector.shape_cast %get3A_260 : vector<1x16xi32> to vector<16xi32>
      %shift_right_arithmetic3A_262 = arith.constant 7 : i32
      %shift_right_arithmetic3A_263 = vector.broadcast %shift_right_arithmetic3A_262 : i32 to vector<16xi32>
      %shift_right_arithmetic3A_264 = arith.shrsi %get3A_261, %shift_right_arithmetic3A_263 : vector<16xi32>
      %shift_left3A_265 = arith.constant 10 : i32
      %shift_left3A_266 = vector.broadcast %shift_left3A_265 : i32 to vector<16xi32>
      %shift_left3A_267 = arith.shli %shift_right_arithmetic3A_264, %shift_left3A_266 : vector<16xi32>
      %and3A_268 = arith.constant 127 : i32
      %and3A_269 = vector.broadcast %and3A_268 : i32 to vector<16xi32>
      %and3A_270 = arith.andi %get3A_261, %and3A_269 : vector<16xi32>
      %add3A_271 = arith.addi %shift_left3A_267, %and3A_270 : vector<16xi32>
      %broadcast_in_dim3A_272 = vector.broadcast %add3A_212 : i32 to vector<16xi32>
      %add3A_273 = arith.addi %add3A_271, %broadcast_in_dim3A_272 : vector<16xi32>
      %mul3A_274 = arith.constant 128 : i32
      %mul3A_275 = arith.muli %add3A_175, %mul3A_274 : i32
      %add3A_276 = arith.constant 32 : i32
      %add3A_277 = arith.addi %mul3A_275, %add3A_276 : i32
      %swap3A_278 = arith.index_cast %add3A_277 : i32 to index
      %swap3A_279 = tpu.vector_load %arg7[%swap3A_278] {strides = array<i32>} : memref<8192xi32, #tpu.memory_space<vmem>>, vector<16xi32>,
      %swap3A_280 = vector.shape_cast %swap3A_279 : vector<16xi32> to vector<16xi32>
      %swap3A_281 = vector.shape_cast %add3A_273 : vector<16xi32> to vector<16xi32>
      tpu.vector_store %arg7[%swap3A_278], %swap3A_281 {strides = array<i32>} : memref<8192xi32, #tpu.memory_space<vmem>>, vector<16xi32>,
      %get3A_282 = arith.index_cast %add3A_175 : i32 to index
      %get3A_283 = arith.constant 48 : index
      %get3A_284 = tpu.vector_load %arg6[%get3A_282, %get3A_283] {strides = array<i32>} : memref<64x128xi32, #tpu.memory_space<vmem>>, vector<1x16xi32>,
      %get3A_285 = vector.shape_cast %get3A_284 : vector<1x16xi32> to vector<16xi32>
      %shift_right_arithmetic3A_286 = arith.constant 7 : i32
      %shift_right_arithmetic3A_287 = vector.broadcast %shift_right_arithmetic3A_286 : i32 to vector<16xi32>
      %shift_right_arithmetic3A_288 = arith.shrsi %get3A_285, %shift_right_arithmetic3A_287 : vector<16xi32>
      %shift_left3A_289 = arith.constant 10 : i32
      %shift_left3A_290 = vector.broadcast %shift_left3A_289 : i32 to vector<16xi32>
      %shift_left3A_291 = arith.shli %shift_right_arithmetic3A_288, %shift_left3A_290 : vector<16xi32>
      %and3A_292 = arith.constant 127 : i32
      %and3A_293 = vector.broadcast %and3A_292 : i32 to vector<16xi32>
      %and3A_294 = arith.andi %get3A_285, %and3A_293 : vector<16xi32>
      %add3A_295 = arith.addi %shift_left3A_291, %and3A_294 : vector<16xi32>
      %broadcast_in_dim3A_296 = vector.broadcast %add3A_212 : i32 to vector<16xi32>
      %add3A_297 = arith.addi %add3A_295, %broadcast_in_dim3A_296 : vector<16xi32>
      %mul3A_298 = arith.constant 128 : i32
      %mul3A_299 = arith.muli %add3A_175, %mul3A_298 : i32
      %add3A_300 = arith.constant 48 : i32
      %add3A_301 = arith.addi %mul3A_299, %add3A_300 : i32
      %swap3A_302 = arith.index_cast %add3A_301 : i32 to index
      %swap3A_303 = tpu.vector_load %arg7[%swap3A_302] {strides = array<i32>} : memref<8192xi32, #tpu.memory_space<vmem>>, vector<16xi32>,
      %swap3A_304 = vector.shape_cast %swap3A_303 : vector<16xi32> to vector<16xi32>
      %swap3A_305 = vector.shape_cast %add3A_297 : vector<16xi32> to vector<16xi32>
      tpu.vector_store %arg7[%swap3A_302], %swap3A_305 {strides = array<i32>} : memref<8192xi32, #tpu.memory_space<vmem>>, vector<16xi32>,
      %get3A_306 = arith.index_cast %add3A_175 : i32 to index
      %get3A_307 = arith.constant 64 : index
      %get3A_308 = tpu.vector_load %arg6[%get3A_306, %get3A_307] {strides = array<i32>} : memref<64x128xi32, #tpu.memory_space<vmem>>, vector<1x16xi32>,
      %get3A_309 = vector.shape_cast %get3A_308 : vector<1x16xi32> to vector<16xi32>
      %shift_right_arithmetic3A_310 = arith.constant 7 : i32
      %shift_right_arithmetic3A_311 = vector.broadcast %shift_right_arithmetic3A_310 : i32 to vector<16xi32>
      %shift_right_arithmetic3A_312 = arith.shrsi %get3A_309, %shift_right_arithmetic3A_311 : vector<16xi32>
      %shift_left3A_313 = arith.constant 10 : i32
      %shift_left3A_314 = vector.broadcast %shift_left3A_313 : i32 to vector<16xi32>
      %shift_left3A_315 = arith.shli %shift_right_arithmetic3A_312, %shift_left3A_314 : vector<16xi32>
      %and3A_316 = arith.constant 127 : i32
      %and3A_317 = vector.broadcast %and3A_316 : i32 to vector<16xi32>
      %and3A_318 = arith.andi %get3A_309, %and3A_317 : vector<16xi32>
      %add3A_319 = arith.addi %shift_left3A_315, %and3A_318 : vector<16xi32>
      %broadcast_in_dim3A_320 = vector.broadcast %add3A_212 : i32 to vector<16xi32>
      %add3A_321 = arith.addi %add3A_319, %broadcast_in_dim3A_320 : vector<16xi32>
      %mul3A_322 = arith.constant 128 : i32
      %mul3A_323 = arith.muli %add3A_175, %mul3A_322 : i32
      %add3A_324 = arith.constant 64 : i32
      %add3A_325 = arith.addi %mul3A_323, %add3A_324 : i32
      %swap3A_326 = arith.index_cast %add3A_325 : i32 to index
      %swap3A_327 = tpu.vector_load %arg7[%swap3A_326] {strides = array<i32>} : memref<8192xi32, #tpu.memory_space<vmem>>, vector<16xi32>,
      %swap3A_328 = vector.shape_cast %swap3A_327 : vector<16xi32> to vector<16xi32>
      %swap3A_329 = vector.shape_cast %add3A_321 : vector<16xi32> to vector<16xi32>
      tpu.vector_store %arg7[%swap3A_326], %swap3A_329 {strides = array<i32>} : memref<8192xi32, #tpu.memory_space<vmem>>, vector<16xi32>,
      %get3A_330 = arith.index_cast %add3A_175 : i32 to index
      %get3A_331 = arith.constant 80 : index
      %get3A_332 = tpu.vector_load %arg6[%get3A_330, %get3A_331] {strides = array<i32>} : memref<64x128xi32, #tpu.memory_space<vmem>>, vector<1x16xi32>,
      %get3A_333 = vector.shape_cast %get3A_332 : vector<1x16xi32> to vector<16xi32>
      %shift_right_arithmetic3A_334 = arith.constant 7 : i32
      %shift_right_arithmetic3A_335 = vector.broadcast %shift_right_arithmetic3A_334 : i32 to vector<16xi32>
      %shift_right_arithmetic3A_336 = arith.shrsi %get3A_333, %shift_right_arithmetic3A_335 : vector<16xi32>
      %shift_left3A_337 = arith.constant 10 : i32
      %shift_left3A_338 = vector.broadcast %shift_left3A_337 : i32 to vector<16xi32>
      %shift_left3A_339 = arith.shli %shift_right_arithmetic3A_336, %shift_left3A_338 : vector<16xi32>
      %and3A_340 = arith.constant 127 : i32
      %and3A_341 = vector.broadcast %and3A_340 : i32 to vector<16xi32>
      %and3A_342 = arith.andi %get3A_333, %and3A_341 : vector<16xi32>
      %add3A_343 = arith.addi %shift_left3A_339, %and3A_342 : vector<16xi32>
      %broadcast_in_dim3A_344 = vector.broadcast %add3A_212 : i32 to vector<16xi32>
      %add3A_345 = arith.addi %add3A_343, %broadcast_in_dim3A_344 : vector<16xi32>
      %mul3A_346 = arith.constant 128 : i32
      %mul3A_347 = arith.muli %add3A_175, %mul3A_346 : i32
      %add3A_348 = arith.constant 80 : i32
      %add3A_349 = arith.addi %mul3A_347, %add3A_348 : i32
      %swap3A_350 = arith.index_cast %add3A_349 : i32 to index
      %swap3A_351 = tpu.vector_load %arg7[%swap3A_350] {strides = array<i32>} : memref<8192xi32, #tpu.memory_space<vmem>>, vector<16xi32>,
      %swap3A_352 = vector.shape_cast %swap3A_351 : vector<16xi32> to vector<16xi32>
      %swap3A_353 = vector.shape_cast %add3A_345 : vector<16xi32> to vector<16xi32>
      tpu.vector_store %arg7[%swap3A_350], %swap3A_353 {strides = array<i32>} : memref<8192xi32, #tpu.memory_space<vmem>>, vector<16xi32>,
      %get3A_354 = arith.index_cast %add3A_175 : i32 to index
      %get3A_355 = arith.constant 96 : index
      %get3A_356 = tpu.vector_load %arg6[%get3A_354, %get3A_355] {strides = array<i32>} : memref<64x128xi32, #tpu.memory_space<vmem>>, vector<1x16xi32>,
      %get3A_357 = vector.shape_cast %get3A_356 : vector<1x16xi32> to vector<16xi32>
      %shift_right_arithmetic3A_358 = arith.constant 7 : i32
      %shift_right_arithmetic3A_359 = vector.broadcast %shift_right_arithmetic3A_358 : i32 to vector<16xi32>
      %shift_right_arithmetic3A_360 = arith.shrsi %get3A_357, %shift_right_arithmetic3A_359 : vector<16xi32>
      %shift_left3A_361 = arith.constant 10 : i32
      %shift_left3A_362 = vector.broadcast %shift_left3A_361 : i32 to vector<16xi32>
      %shift_left3A_363 = arith.shli %shift_right_arithmetic3A_360, %shift_left3A_362 : vector<16xi32>
      %and3A_364 = arith.constant 127 : i32
      %and3A_365 = vector.broadcast %and3A_364 : i32 to vector<16xi32>
      %and3A_366 = arith.andi %get3A_357, %and3A_365 : vector<16xi32>
      %add3A_367 = arith.addi %shift_left3A_363, %and3A_366 : vector<16xi32>
      %broadcast_in_dim3A_368 = vector.broadcast %add3A_212 : i32 to vector<16xi32>
      %add3A_369 = arith.addi %add3A_367, %broadcast_in_dim3A_368 : vector<16xi32>
      %mul3A_370 = arith.constant 128 : i32
      %mul3A_371 = arith.muli %add3A_175, %mul3A_370 : i32
      %add3A_372 = arith.constant 96 : i32
      %add3A_373 = arith.addi %mul3A_371, %add3A_372 : i32
      %swap3A_374 = arith.index_cast %add3A_373 : i32 to index
      %swap3A_375 = tpu.vector_load %arg7[%swap3A_374] {strides = array<i32>} : memref<8192xi32, #tpu.memory_space<vmem>>, vector<16xi32>,
      %swap3A_376 = vector.shape_cast %swap3A_375 : vector<16xi32> to vector<16xi32>
      %swap3A_377 = vector.shape_cast %add3A_369 : vector<16xi32> to vector<16xi32>
      tpu.vector_store %arg7[%swap3A_374], %swap3A_377 {strides = array<i32>} : memref<8192xi32, #tpu.memory_space<vmem>>, vector<16xi32>,
      %get3A_378 = arith.index_cast %add3A_175 : i32 to index
      %get3A_379 = arith.constant 112 : index
      %get3A_380 = tpu.vector_load %arg6[%get3A_378, %get3A_379] {strides = array<i32>} : memref<64x128xi32, #tpu.memory_space<vmem>>, vector<1x16xi32>,
      %get3A_381 = vector.shape_cast %get3A_380 : vector<1x16xi32> to vector<16xi32>
      %shift_right_arithmetic3A_382 = arith.constant 7 : i32
      %shift_right_arithmetic3A_383 = vector.broadcast %shift_right_arithmetic3A_382 : i32 to vector<16xi32>
      %shift_right_arithmetic3A_384 = arith.shrsi %get3A_381, %shift_right_arithmetic3A_383 : vector<16xi32>
      %shift_left3A_385 = arith.constant 10 : i32
      %shift_left3A_386 = vector.broadcast %shift_left3A_385 : i32 to vector<16xi32>
      %shift_left3A_387 = arith.shli %shift_right_arithmetic3A_384, %shift_left3A_386 : vector<16xi32>
      %and3A_388 = arith.constant 127 : i32
      %and3A_389 = vector.broadcast %and3A_388 : i32 to vector<16xi32>
      %and3A_390 = arith.andi %get3A_381, %and3A_389 : vector<16xi32>
      %add3A_391 = arith.addi %shift_left3A_387, %and3A_390 : vector<16xi32>
      %broadcast_in_dim3A_392 = vector.broadcast %add3A_212 : i32 to vector<16xi32>
      %add3A_393 = arith.addi %add3A_391, %broadcast_in_dim3A_392 : vector<16xi32>
      %mul3A_394 = arith.constant 128 : i32
      %mul3A_395 = arith.muli %add3A_175, %mul3A_394 : i32
      %add3A_396 = arith.constant 112 : i32
      %add3A_397 = arith.addi %mul3A_395, %add3A_396 : i32
      %swap3A_398 = arith.index_cast %add3A_397 : i32 to index
      %swap3A_399 = tpu.vector_load %arg7[%swap3A_398] {strides = array<i32>} : memref<8192xi32, #tpu.memory_space<vmem>>, vector<16xi32>,
      %swap3A_400 = vector.shape_cast %swap3A_399 : vector<16xi32> to vector<16xi32>
      %swap3A_401 = vector.shape_cast %add3A_393 : vector<16xi32> to vector<16xi32>
      tpu.vector_store %arg7[%swap3A_398], %swap3A_401 {strides = array<i32>} : memref<8192xi32, #tpu.memory_space<vmem>>, vector<16xi32>,
      %mul3A_402 = arith.constant 4 : i32
      %mul3A_403 = arith.muli %scan3A_171, %mul3A_402 : i32
      %add3A_404 = arith.constant 1 : i32
      %add3A_405 = arith.addi %mul3A_403, %add3A_404 : i32
      %jit3A_406 = arith.constant 8 : i32
      %div3A_407 = arith.divsi %add3A_405, %jit3A_406 : i32
      %sign3A_408 = arith.constant 0 : i32
      %sign3A_409 = arith.cmpi sgt, %add3A_405, %sign3A_408 : i32
      %sign3A_410 = arith.extui %sign3A_409 : i1 to i32
      %sign3A_411 = arith.constant 0 : i32
      %sign3A_412 = arith.cmpi slt, %add3A_405, %sign3A_411 : i32
      %sign3A_413 = arith.extui %sign3A_412 : i1 to i32
      %sign3A_414 = arith.subi %sign3A_410, %sign3A_413 : i32
      %sign3A_415 = arith.constant 0 : i32
      %sign3A_416 = arith.cmpi sgt, %jit3A_406, %sign3A_415 : i32
      %sign3A_417 = arith.extui %sign3A_416 : i1 to i32
      %sign3A_418 = arith.constant 0 : i32
      %sign3A_419 = arith.cmpi slt, %jit3A_406, %sign3A_418 : i32
      %sign3A_420 = arith.extui %sign3A_419 : i1 to i32
      %sign3A_421 = arith.subi %sign3A_417, %sign3A_420 : i32
      %ne3A_422 = arith.cmpi ne, %sign3A_414, %sign3A_421 : i32
      %rem3A_423 = arith.remsi %add3A_405, %jit3A_406 : i32
      %ne3A_424 = arith.constant 0 : i32
      %ne3A_425 = arith.cmpi ne, %rem3A_423, %ne3A_424 : i32
      %and3A_426 = arith.andi %ne3A_422, %ne3A_425 : i1
      %sub3A_427 = arith.constant 1 : i32
      %sub3A_428 = arith.subi %div3A_407, %sub3A_427 : i32
      %select_n3A_429 = arith.select %and3A_426, %sub3A_428, %div3A_407 : i32
      %mul3A_430 = arith.constant 524288 : i32
      %mul3A_431 = arith.muli %select_n3A_429, %mul3A_430 : i32
      %jit3A_432 = arith.constant 8 : i32
      %eq3A_433 = arith.constant 0 : i32
      %eq3A_434 = arith.cmpi eq, %jit3A_432, %eq3A_433 : i32
      %jit3A_435 = arith.constant 1 : i32
      %select_n3A_436 = arith.select %eq3A_434, %jit3A_435, %jit3A_432 : i32
      %rem3A_437 = arith.remsi %add3A_405, %select_n3A_436 : i32
      %ne3A_438 = arith.constant 0 : i32
      %ne3A_439 = arith.cmpi ne, %rem3A_437, %ne3A_438 : i32
      %lt3A_440 = arith.constant 0 : i32
      %lt3A_441 = arith.cmpi slt, %rem3A_437, %lt3A_440 : i32
      %lt3A_442 = arith.constant 0 : i32
      %lt3A_443 = arith.cmpi slt, %select_n3A_436, %lt3A_442 : i32
      %ne3A_444 = arith.xori %lt3A_441, %lt3A_443 : i1
      %and3A_445 = arith.andi %ne3A_444, %ne3A_439 : i1
      %add3A_446 = arith.addi %rem3A_437, %select_n3A_436 : i32
      %select_n3A_447 = arith.select %and3A_445, %add3A_446, %rem3A_437 : i32
      %mul3A_448 = arith.constant 128 : i32
      %mul3A_449 = arith.muli %select_n3A_447, %mul3A_448 : i32
      %add3A_450 = arith.addi %mul3A_431, %mul3A_449 : i32
      %get3A_451 = arith.index_cast %add3A_405 : i32 to index
      %get3A_452 = arith.constant 0 : index
      %get3A_453 = tpu.vector_load %arg6[%get3A_451, %get3A_452] {strides = array<i32>} : memref<64x128xi32, #tpu.memory_space<vmem>>, vector<1x16xi32>,
      %get3A_454 = vector.shape_cast %get3A_453 : vector<1x16xi32> to vector<16xi32>
      %shift_right_arithmetic3A_455 = arith.constant 7 : i32
      %shift_right_arithmetic3A_456 = vector.broadcast %shift_right_arithmetic3A_455 : i32 to vector<16xi32>
      %shift_right_arithmetic3A_457 = arith.shrsi %get3A_454, %shift_right_arithmetic3A_456 : vector<16xi32>
      %shift_left3A_458 = arith.constant 10 : i32
      %shift_left3A_459 = vector.broadcast %shift_left3A_458 : i32 to vector<16xi32>
      %shift_left3A_460 = arith.shli %shift_right_arithmetic3A_457, %shift_left3A_459 : vector<16xi32>
      %and3A_461 = arith.constant 127 : i32
      %and3A_462 = vector.broadcast %and3A_461 : i32 to vector<16xi32>
      %and3A_463 = arith.andi %get3A_454, %and3A_462 : vector<16xi32>
      %add3A_464 = arith.addi %shift_left3A_460, %and3A_463 : vector<16xi32>
      %broadcast_in_dim3A_465 = vector.broadcast %add3A_450 : i32 to vector<16xi32>
      %add3A_466 = arith.addi %add3A_464, %broadcast_in_dim3A_465 : vector<16xi32>
      %mul3A_467 = arith.constant 128 : i32
      %mul3A_468 = arith.muli %add3A_405, %mul3A_467 : i32
      %add3A_469 = arith.constant 0 : i32
      %add3A_470 = arith.addi %mul3A_468, %add3A_469 : i32
      %swap3A_471 = arith.index_cast %add3A_470 : i32 to index
      %swap3A_472 = tpu.vector_load %arg7[%swap3A_471] {strides = array<i32>} : memref<8192xi32, #tpu.memory_space<vmem>>, vector<16xi32>,
      %swap3A_473 = vector.shape_cast %swap3A_472 : vector<16xi32> to vector<16xi32>
      %swap3A_474 = vector.shape_cast %add3A_466 : vector<16xi32> to vector<16xi32>
      tpu.vector_store %arg7[%swap3A_471], %swap3A_474 {strides = array<i32>} : memref<8192xi32, #tpu.memory_space<vmem>>, vector<16xi32>,
      %get3A_475 = arith.index_cast %add3A_405 : i32 to index
      %get3A_476 = arith.constant 16 : index
      %get3A_477 = tpu.vector_load %arg6[%get3A_475, %get3A_476] {strides = array<i32>} : memref<64x128xi32, #tpu.memory_space<vmem>>, vector<1x16xi32>,
      %get3A_478 = vector.shape_cast %get3A_477 : vector<1x16xi32> to vector<16xi32>
      %shift_right_arithmetic3A_479 = arith.constant 7 : i32
      %shift_right_arithmetic3A_480 = vector.broadcast %shift_right_arithmetic3A_479 : i32 to vector<16xi32>
      %shift_right_arithmetic3A_481 = arith.shrsi %get3A_478, %shift_right_arithmetic3A_480 : vector<16xi32>
      %shift_left3A_482 = arith.constant 10 : i32
      %shift_left3A_483 = vector.broadcast %shift_left3A_482 : i32 to vector<16xi32>
      %shift_left3A_484 = arith.shli %shift_right_arithmetic3A_481, %shift_left3A_483 : vector<16xi32>
      %and3A_485 = arith.constant 127 : i32
      %and3A_486 = vector.broadcast %and3A_485 : i32 to vector<16xi32>
      %and3A_487 = arith.andi %get3A_478, %and3A_486 : vector<16xi32>
      %add3A_488 = arith.addi %shift_left3A_484, %and3A_487 : vector<16xi32>
      %broadcast_in_dim3A_489 = vector.broadcast %add3A_450 : i32 to vector<16xi32>
      %add3A_490 = arith.addi %add3A_488, %broadcast_in_dim3A_489 : vector<16xi32>
      %mul3A_491 = arith.constant 128 : i32
      %mul3A_492 = arith.muli %add3A_405, %mul3A_491 : i32
      %add3A_493 = arith.constant 16 : i32
      %add3A_494 = arith.addi %mul3A_492, %add3A_493 : i32
      %swap3A_495 = arith.index_cast %add3A_494 : i32 to index
      %swap3A_496 = tpu.vector_load %arg7[%swap3A_495] {strides = array<i32>} : memref<8192xi32, #tpu.memory_space<vmem>>, vector<16xi32>,
      %swap3A_497 = vector.shape_cast %swap3A_496 : vector<16xi32> to vector<16xi32>
      %swap3A_498 = vector.shape_cast %add3A_490 : vector<16xi32> to vector<16xi32>
      tpu.vector_store %arg7[%swap3A_495], %swap3A_498 {strides = array<i32>} : memref<8192xi32, #tpu.memory_space<vmem>>, vector<16xi32>,
      %get3A_499 = arith.index_cast %add3A_405 : i32 to index
      %get3A_500 = arith.constant 32 : index
      %get3A_501 = tpu.vector_load %arg6[%get3A_499, %get3A_500] {strides = array<i32>} : memref<64x128xi32, #tpu.memory_space<vmem>>, vector<1x16xi32>,
      %get3A_502 = vector.shape_cast %get3A_501 : vector<1x16xi32> to vector<16xi32>
      %shift_right_arithmetic3A_503 = arith.constant 7 : i32
      %shift_right_arithmetic3A_504 = vector.broadcast %shift_right_arithmetic3A_503 : i32 to vector<16xi32>
      %shift_right_arithmetic3A_505 = arith.shrsi %get3A_502, %shift_right_arithmetic3A_504 : vector<16xi32>
      %shift_left3A_506 = arith.constant 10 : i32
      %shift_left3A_507 = vector.broadcast %shift_left3A_506 : i32 to vector<16xi32>
      %shift_left3A_508 = arith.shli %shift_right_arithmetic3A_505, %shift_left3A_507 : vector<16xi32>
      %and3A_509 = arith.constant 127 : i32
      %and3A_510 = vector.broadcast %and3A_509 : i32 to vector<16xi32>
      %and3A_511 = arith.andi %get3A_502, %and3A_510 : vector<16xi32>
      %add3A_512 = arith.addi %shift_left3A_508, %and3A_511 : vector<16xi32>
      %broadcast_in_dim3A_513 = vector.broadcast %add3A_450 : i32 to vector<16xi32>
      %add3A_514 = arith.addi %add3A_512, %broadcast_in_dim3A_513 : vector<16xi32>
      %mul3A_515 = arith.constant 128 : i32
      %mul3A_516 = arith.muli %add3A_405, %mul3A_515 : i32
      %add3A_517 = arith.constant 32 : i32
      %add3A_518 = arith.addi %mul3A_516, %add3A_517 : i32
      %swap3A_519 = arith.index_cast %add3A_518 : i32 to index
      %swap3A_520 = tpu.vector_load %arg7[%swap3A_519] {strides = array<i32>} : memref<8192xi32, #tpu.memory_space<vmem>>, vector<16xi32>,
      %swap3A_521 = vector.shape_cast %swap3A_520 : vector<16xi32> to vector<16xi32>
      %swap3A_522 = vector.shape_cast %add3A_514 : vector<16xi32> to vector<16xi32>
      tpu.vector_store %arg7[%swap3A_519], %swap3A_522 {strides = array<i32>} : memref<8192xi32, #tpu.memory_space<vmem>>, vector<16xi32>,
      %get3A_523 = arith.index_cast %add3A_405 : i32 to index
      %get3A_524 = arith.constant 48 : index
      %get3A_525 = tpu.vector_load %arg6[%get3A_523, %get3A_524] {strides = array<i32>} : memref<64x128xi32, #tpu.memory_space<vmem>>, vector<1x16xi32>,
      %get3A_526 = vector.shape_cast %get3A_525 : vector<1x16xi32> to vector<16xi32>
      %shift_right_arithmetic3A_527 = arith.constant 7 : i32
      %shift_right_arithmetic3A_528 = vector.broadcast %shift_right_arithmetic3A_527 : i32 to vector<16xi32>
      %shift_right_arithmetic3A_529 = arith.shrsi %get3A_526, %shift_right_arithmetic3A_528 : vector<16xi32>
      %shift_left3A_530 = arith.constant 10 : i32
      %shift_left3A_531 = vector.broadcast %shift_left3A_530 : i32 to vector<16xi32>
      %shift_left3A_532 = arith.shli %shift_right_arithmetic3A_529, %shift_left3A_531 : vector<16xi32>
      %and3A_533 = arith.constant 127 : i32
      %and3A_534 = vector.broadcast %and3A_533 : i32 to vector<16xi32>
      %and3A_535 = arith.andi %get3A_526, %and3A_534 : vector<16xi32>
      %add3A_536 = arith.addi %shift_left3A_532, %and3A_535 : vector<16xi32>
      %broadcast_in_dim3A_537 = vector.broadcast %add3A_450 : i32 to vector<16xi32>
      %add3A_538 = arith.addi %add3A_536, %broadcast_in_dim3A_537 : vector<16xi32>
      %mul3A_539 = arith.constant 128 : i32
      %mul3A_540 = arith.muli %add3A_405, %mul3A_539 : i32
      %add3A_541 = arith.constant 48 : i32
      %add3A_542 = arith.addi %mul3A_540, %add3A_541 : i32
      %swap3A_543 = arith.index_cast %add3A_542 : i32 to index
      %swap3A_544 = tpu.vector_load %arg7[%swap3A_543] {strides = array<i32>} : memref<8192xi32, #tpu.memory_space<vmem>>, vector<16xi32>,
      %swap3A_545 = vector.shape_cast %swap3A_544 : vector<16xi32> to vector<16xi32>
      %swap3A_546 = vector.shape_cast %add3A_538 : vector<16xi32> to vector<16xi32>
      tpu.vector_store %arg7[%swap3A_543], %swap3A_546 {strides = array<i32>} : memref<8192xi32, #tpu.memory_space<vmem>>, vector<16xi32>,
      %get3A_547 = arith.index_cast %add3A_405 : i32 to index
      %get3A_548 = arith.constant 64 : index
      %get3A_549 = tpu.vector_load %arg6[%get3A_547, %get3A_548] {strides = array<i32>} : memref<64x128xi32, #tpu.memory_space<vmem>>, vector<1x16xi32>,
      %get3A_550 = vector.shape_cast %get3A_549 : vector<1x16xi32> to vector<16xi32>
      %shift_right_arithmetic3A_551 = arith.constant 7 : i32
      %shift_right_arithmetic3A_552 = vector.broadcast %shift_right_arithmetic3A_551 : i32 to vector<16xi32>
      %shift_right_arithmetic3A_553 = arith.shrsi %get3A_550, %shift_right_arithmetic3A_552 : vector<16xi32>
      %shift_left3A_554 = arith.constant 10 : i32
      %shift_left3A_555 = vector.broadcast %shift_left3A_554 : i32 to vector<16xi32>
      %shift_left3A_556 = arith.shli %shift_right_arithmetic3A_553, %shift_left3A_555 : vector<16xi32>
      %and3A_557 = arith.constant 127 : i32
      %and3A_558 = vector.broadcast %and3A_557 : i32 to vector<16xi32>
      %and3A_559 = arith.andi %get3A_550, %and3A_558 : vector<16xi32>
      %add3A_560 = arith.addi %shift_left3A_556, %and3A_559 : vector<16xi32>
      %broadcast_in_dim3A_561 = vector.broadcast %add3A_450 : i32 to vector<16xi32>
      %add3A_562 = arith.addi %add3A_560, %broadcast_in_dim3A_561 : vector<16xi32>
      %mul3A_563 = arith.constant 128 : i32
      %mul3A_564 = arith.muli %add3A_405, %mul3A_563 : i32
      %add3A_565 = arith.constant 64 : i32
      %add3A_566 = arith.addi %mul3A_564, %add3A_565 : i32
      %swap3A_567 = arith.index_cast %add3A_566 : i32 to index
      %swap3A_568 = tpu.vector_load %arg7[%swap3A_567] {strides = array<i32>} : memref<8192xi32, #tpu.memory_space<vmem>>, vector<16xi32>,
      %swap3A_569 = vector.shape_cast %swap3A_568 : vector<16xi32> to vector<16xi32>
      %swap3A_570 = vector.shape_cast %add3A_562 : vector<16xi32> to vector<16xi32>
      tpu.vector_store %arg7[%swap3A_567], %swap3A_570 {strides = array<i32>} : memref<8192xi32, #tpu.memory_space<vmem>>, vector<16xi32>,
      %get3A_571 = arith.index_cast %add3A_405 : i32 to index
      %get3A_572 = arith.constant 80 : index
      %get3A_573 = tpu.vector_load %arg6[%get3A_571, %get3A_572] {strides = array<i32>} : memref<64x128xi32, #tpu.memory_space<vmem>>, vector<1x16xi32>,
      %get3A_574 = vector.shape_cast %get3A_573 : vector<1x16xi32> to vector<16xi32>
      %shift_right_arithmetic3A_575 = arith.constant 7 : i32
      %shift_right_arithmetic3A_576 = vector.broadcast %shift_right_arithmetic3A_575 : i32 to vector<16xi32>
      %shift_right_arithmetic3A_577 = arith.shrsi %get3A_574, %shift_right_arithmetic3A_576 : vector<16xi32>
      %shift_left3A_578 = arith.constant 10 : i32
      %shift_left3A_579 = vector.broadcast %shift_left3A_578 : i32 to vector<16xi32>
      %shift_left3A_580 = arith.shli %shift_right_arithmetic3A_577, %shift_left3A_579 : vector<16xi32>
      %and3A_581 = arith.constant 127 : i32
      %and3A_582 = vector.broadcast %and3A_581 : i32 to vector<16xi32>
      %and3A_583 = arith.andi %get3A_574, %and3A_582 : vector<16xi32>
      %add3A_584 = arith.addi %shift_left3A_580, %and3A_583 : vector<16xi32>
      %broadcast_in_dim3A_585 = vector.broadcast %add3A_450 : i32 to vector<16xi32>
      %add3A_586 = arith.addi %add3A_584, %broadcast_in_dim3A_585 : vector<16xi32>
      %mul3A_587 = arith.constant 128 : i32
      %mul3A_588 = arith.muli %add3A_405, %mul3A_587 : i32
      %add3A_589 = arith.constant 80 : i32
      %add3A_590 = arith.addi %mul3A_588, %add3A_589 : i32
      %swap3A_591 = arith.index_cast %add3A_590 : i32 to index
      %swap3A_592 = tpu.vector_load %arg7[%swap3A_591] {strides = array<i32>} : memref<8192xi32, #tpu.memory_space<vmem>>, vector<16xi32>,
      %swap3A_593 = vector.shape_cast %swap3A_592 : vector<16xi32> to vector<16xi32>
      %swap3A_594 = vector.shape_cast %add3A_586 : vector<16xi32> to vector<16xi32>
      tpu.vector_store %arg7[%swap3A_591], %swap3A_594 {strides = array<i32>} : memref<8192xi32, #tpu.memory_space<vmem>>, vector<16xi32>,
      %get3A_595 = arith.index_cast %add3A_405 : i32 to index
      %get3A_596 = arith.constant 96 : index
      %get3A_597 = tpu.vector_load %arg6[%get3A_595, %get3A_596] {strides = array<i32>} : memref<64x128xi32, #tpu.memory_space<vmem>>, vector<1x16xi32>,
      %get3A_598 = vector.shape_cast %get3A_597 : vector<1x16xi32> to vector<16xi32>
      %shift_right_arithmetic3A_599 = arith.constant 7 : i32
      %shift_right_arithmetic3A_600 = vector.broadcast %shift_right_arithmetic3A_599 : i32 to vector<16xi32>
      %shift_right_arithmetic3A_601 = arith.shrsi %get3A_598, %shift_right_arithmetic3A_600 : vector<16xi32>
      %shift_left3A_602 = arith.constant 10 : i32
      %shift_left3A_603 = vector.broadcast %shift_left3A_602 : i32 to vector<16xi32>
      %shift_left3A_604 = arith.shli %shift_right_arithmetic3A_601, %shift_left3A_603 : vector<16xi32>
      %and3A_605 = arith.constant 127 : i32
      %and3A_606 = vector.broadcast %and3A_605 : i32 to vector<16xi32>
      %and3A_607 = arith.andi %get3A_598, %and3A_606 : vector<16xi32>
      %add3A_608 = arith.addi %shift_left3A_604, %and3A_607 : vector<16xi32>
      %broadcast_in_dim3A_609 = vector.broadcast %add3A_450 : i32 to vector<16xi32>
      %add3A_610 = arith.addi %add3A_608, %broadcast_in_dim3A_609 : vector<16xi32>
      %mul3A_611 = arith.constant 128 : i32
      %mul3A_612 = arith.muli %add3A_405, %mul3A_611 : i32
      %add3A_613 = arith.constant 96 : i32
      %add3A_614 = arith.addi %mul3A_612, %add3A_613 : i32
      %swap3A_615 = arith.index_cast %add3A_614 : i32 to index
      %swap3A_616 = tpu.vector_load %arg7[%swap3A_615] {strides = array<i32>} : memref<8192xi32, #tpu.memory_space<vmem>>, vector<16xi32>,
      %swap3A_617 = vector.shape_cast %swap3A_616 : vector<16xi32> to vector<16xi32>
      %swap3A_618 = vector.shape_cast %add3A_610 : vector<16xi32> to vector<16xi32>
      tpu.vector_store %arg7[%swap3A_615], %swap3A_618 {strides = array<i32>} : memref<8192xi32, #tpu.memory_space<vmem>>, vector<16xi32>,
      %get3A_619 = arith.index_cast %add3A_405 : i32 to index
      %get3A_620 = arith.constant 112 : index
      %get3A_621 = tpu.vector_load %arg6[%get3A_619, %get3A_620] {strides = array<i32>} : memref<64x128xi32, #tpu.memory_space<vmem>>, vector<1x16xi32>,
      %get3A_622 = vector.shape_cast %get3A_621 : vector<1x16xi32> to vector<16xi32>
      %shift_right_arithmetic3A_623 = arith.constant 7 : i32
      %shift_right_arithmetic3A_624 = vector.broadcast %shift_right_arithmetic3A_623 : i32 to vector<16xi32>
      %shift_right_arithmetic3A_625 = arith.shrsi %get3A_622, %shift_right_arithmetic3A_624 : vector<16xi32>
      %shift_left3A_626 = arith.constant 10 : i32
      %shift_left3A_627 = vector.broadcast %shift_left3A_626 : i32 to vector<16xi32>
      %shift_left3A_628 = arith.shli %shift_right_arithmetic3A_625, %shift_left3A_627 : vector<16xi32>
      %and3A_629 = arith.constant 127 : i32
      %and3A_630 = vector.broadcast %and3A_629 : i32 to vector<16xi32>
      %and3A_631 = arith.andi %get3A_622, %and3A_630 : vector<16xi32>
      %add3A_632 = arith.addi %shift_left3A_628, %and3A_631 : vector<16xi32>
      %broadcast_in_dim3A_633 = vector.broadcast %add3A_450 : i32 to vector<16xi32>
      %add3A_634 = arith.addi %add3A_632, %broadcast_in_dim3A_633 : vector<16xi32>
      %mul3A_635 = arith.constant 128 : i32
      %mul3A_636 = arith.muli %add3A_405, %mul3A_635 : i32
      %add3A_637 = arith.constant 112 : i32
      %add3A_638 = arith.addi %mul3A_636, %add3A_637 : i32
      %swap3A_639 = arith.index_cast %add3A_638 : i32 to index
      %swap3A_640 = tpu.vector_load %arg7[%swap3A_639] {strides = array<i32>} : memref<8192xi32, #tpu.memory_space<vmem>>, vector<16xi32>,
      %swap3A_641 = vector.shape_cast %swap3A_640 : vector<16xi32> to vector<16xi32>
      %swap3A_642 = vector.shape_cast %add3A_634 : vector<16xi32> to vector<16xi32>
      tpu.vector_store %arg7[%swap3A_639], %swap3A_642 {strides = array<i32>} : memref<8192xi32, #tpu.memory_space<vmem>>, vector<16xi32>,
      %mul3A_643 = arith.constant 4 : i32
      %mul3A_644 = arith.muli %scan3A_171, %mul3A_643 : i32
      %add3A_645 = arith.constant 2 : i32
      %add3A_646 = arith.addi %mul3A_644, %add3A_645 : i32
      %jit3A_647 = arith.constant 8 : i32
      %div3A_648 = arith.divsi %add3A_646, %jit3A_647 : i32
      %sign3A_649 = arith.constant 0 : i32
      %sign3A_650 = arith.cmpi sgt, %add3A_646, %sign3A_649 : i32
      %sign3A_651 = arith.extui %sign3A_650 : i1 to i32
      %sign3A_652 = arith.constant 0 : i32
      %sign3A_653 = arith.cmpi slt, %add3A_646, %sign3A_652 : i32
      %sign3A_654 = arith.extui %sign3A_653 : i1 to i32
      %sign3A_655 = arith.subi %sign3A_651, %sign3A_654 : i32
      %sign3A_656 = arith.constant 0 : i32
      %sign3A_657 = arith.cmpi sgt, %jit3A_647, %sign3A_656 : i32
      %sign3A_658 = arith.extui %sign3A_657 : i1 to i32
      %sign3A_659 = arith.constant 0 : i32
      %sign3A_660 = arith.cmpi slt, %jit3A_647, %sign3A_659 : i32
      %sign3A_661 = arith.extui %sign3A_660 : i1 to i32
      %sign3A_662 = arith.subi %sign3A_658, %sign3A_661 : i32
      %ne3A_663 = arith.cmpi ne, %sign3A_655, %sign3A_662 : i32
      %rem3A_664 = arith.remsi %add3A_646, %jit3A_647 : i32
      %ne3A_665 = arith.constant 0 : i32
      %ne3A_666 = arith.cmpi ne, %rem3A_664, %ne3A_665 : i32
      %and3A_667 = arith.andi %ne3A_663, %ne3A_666 : i1
      %sub3A_668 = arith.constant 1 : i32
      %sub3A_669 = arith.subi %div3A_648, %sub3A_668 : i32
      %select_n3A_670 = arith.select %and3A_667, %sub3A_669, %div3A_648 : i32
      %mul3A_671 = arith.constant 524288 : i32
      %mul3A_672 = arith.muli %select_n3A_670, %mul3A_671 : i32
      %jit3A_673 = arith.constant 8 : i32
      %eq3A_674 = arith.constant 0 : i32
      %eq3A_675 = arith.cmpi eq, %jit3A_673, %eq3A_674 : i32
      %jit3A_676 = arith.constant 1 : i32
      %select_n3A_677 = arith.select %eq3A_675, %jit3A_676, %jit3A_673 : i32
      %rem3A_678 = arith.remsi %add3A_646, %select_n3A_677 : i32
      %ne3A_679 = arith.constant 0 : i32
      %ne3A_680 = arith.cmpi ne, %rem3A_678, %ne3A_679 : i32
      %lt3A_681 = arith.constant 0 : i32
      %lt3A_682 = arith.cmpi slt, %rem3A_678, %lt3A_681 : i32
      %lt3A_683 = arith.constant 0 : i32
      %lt3A_684 = arith.cmpi slt, %select_n3A_677, %lt3A_683 : i32
      %ne3A_685 = arith.xori %lt3A_682, %lt3A_684 : i1
      %and3A_686 = arith.andi %ne3A_685, %ne3A_680 : i1
      %add3A_687 = arith.addi %rem3A_678, %select_n3A_677 : i32
      %select_n3A_688 = arith.select %and3A_686, %add3A_687, %rem3A_678 : i32
      %mul3A_689 = arith.constant 128 : i32
      %mul3A_690 = arith.muli %select_n3A_688, %mul3A_689 : i32
      %add3A_691 = arith.addi %mul3A_672, %mul3A_690 : i32
      %get3A_692 = arith.index_cast %add3A_646 : i32 to index
      %get3A_693 = arith.constant 0 : index
      %get3A_694 = tpu.vector_load %arg6[%get3A_692, %get3A_693] {strides = array<i32>} : memref<64x128xi32, #tpu.memory_space<vmem>>, vector<1x16xi32>,
      %get3A_695 = vector.shape_cast %get3A_694 : vector<1x16xi32> to vector<16xi32>
      %shift_right_arithmetic3A_696 = arith.constant 7 : i32
      %shift_right_arithmetic3A_697 = vector.broadcast %shift_right_arithmetic3A_696 : i32 to vector<16xi32>
      %shift_right_arithmetic3A_698 = arith.shrsi %get3A_695, %shift_right_arithmetic3A_697 : vector<16xi32>
      %shift_left3A_699 = arith.constant 10 : i32
      %shift_left3A_700 = vector.broadcast %shift_left3A_699 : i32 to vector<16xi32>
      %shift_left3A_701 = arith.shli %shift_right_arithmetic3A_698, %shift_left3A_700 : vector<16xi32>
      %and3A_702 = arith.constant 127 : i32
      %and3A_703 = vector.broadcast %and3A_702 : i32 to vector<16xi32>
      %and3A_704 = arith.andi %get3A_695, %and3A_703 : vector<16xi32>
      %add3A_705 = arith.addi %shift_left3A_701, %and3A_704 : vector<16xi32>
      %broadcast_in_dim3A_706 = vector.broadcast %add3A_691 : i32 to vector<16xi32>
      %add3A_707 = arith.addi %add3A_705, %broadcast_in_dim3A_706 : vector<16xi32>
      %mul3A_708 = arith.constant 128 : i32
      %mul3A_709 = arith.muli %add3A_646, %mul3A_708 : i32
      %add3A_710 = arith.constant 0 : i32
      %add3A_711 = arith.addi %mul3A_709, %add3A_710 : i32
      %swap3A_712 = arith.index_cast %add3A_711 : i32 to index
      %swap3A_713 = tpu.vector_load %arg7[%swap3A_712] {strides = array<i32>} : memref<8192xi32, #tpu.memory_space<vmem>>, vector<16xi32>,
      %swap3A_714 = vector.shape_cast %swap3A_713 : vector<16xi32> to vector<16xi32>
      %swap3A_715 = vector.shape_cast %add3A_707 : vector<16xi32> to vector<16xi32>
      tpu.vector_store %arg7[%swap3A_712], %swap3A_715 {strides = array<i32>} : memref<8192xi32, #tpu.memory_space<vmem>>, vector<16xi32>,
      %get3A_716 = arith.index_cast %add3A_646 : i32 to index
      %get3A_717 = arith.constant 16 : index
      %get3A_718 = tpu.vector_load %arg6[%get3A_716, %get3A_717] {strides = array<i32>} : memref<64x128xi32, #tpu.memory_space<vmem>>, vector<1x16xi32>,
      %get3A_719 = vector.shape_cast %get3A_718 : vector<1x16xi32> to vector<16xi32>
      %shift_right_arithmetic3A_720 = arith.constant 7 : i32
      %shift_right_arithmetic3A_721 = vector.broadcast %shift_right_arithmetic3A_720 : i32 to vector<16xi32>
      %shift_right_arithmetic3A_722 = arith.shrsi %get3A_719, %shift_right_arithmetic3A_721 : vector<16xi32>
      %shift_left3A_723 = arith.constant 10 : i32
      %shift_left3A_724 = vector.broadcast %shift_left3A_723 : i32 to vector<16xi32>
      %shift_left3A_725 = arith.shli %shift_right_arithmetic3A_722, %shift_left3A_724 : vector<16xi32>
      %and3A_726 = arith.constant 127 : i32
      %and3A_727 = vector.broadcast %and3A_726 : i32 to vector<16xi32>
      %and3A_728 = arith.andi %get3A_719, %and3A_727 : vector<16xi32>
      %add3A_729 = arith.addi %shift_left3A_725, %and3A_728 : vector<16xi32>
      %broadcast_in_dim3A_730 = vector.broadcast %add3A_691 : i32 to vector<16xi32>
      %add3A_731 = arith.addi %add3A_729, %broadcast_in_dim3A_730 : vector<16xi32>
      %mul3A_732 = arith.constant 128 : i32
      %mul3A_733 = arith.muli %add3A_646, %mul3A_732 : i32
      %add3A_734 = arith.constant 16 : i32
      %add3A_735 = arith.addi %mul3A_733, %add3A_734 : i32
      %swap3A_736 = arith.index_cast %add3A_735 : i32 to index
      %swap3A_737 = tpu.vector_load %arg7[%swap3A_736] {strides = array<i32>} : memref<8192xi32, #tpu.memory_space<vmem>>, vector<16xi32>,
      %swap3A_738 = vector.shape_cast %swap3A_737 : vector<16xi32> to vector<16xi32>
      %swap3A_739 = vector.shape_cast %add3A_731 : vector<16xi32> to vector<16xi32>
      tpu.vector_store %arg7[%swap3A_736], %swap3A_739 {strides = array<i32>} : memref<8192xi32, #tpu.memory_space<vmem>>, vector<16xi32>,
      %get3A_740 = arith.index_cast %add3A_646 : i32 to index
      %get3A_741 = arith.constant 32 : index
      %get3A_742 = tpu.vector_load %arg6[%get3A_740, %get3A_741] {strides = array<i32>} : memref<64x128xi32, #tpu.memory_space<vmem>>, vector<1x16xi32>,
      %get3A_743 = vector.shape_cast %get3A_742 : vector<1x16xi32> to vector<16xi32>
      %shift_right_arithmetic3A_744 = arith.constant 7 : i32
      %shift_right_arithmetic3A_745 = vector.broadcast %shift_right_arithmetic3A_744 : i32 to vector<16xi32>
      %shift_right_arithmetic3A_746 = arith.shrsi %get3A_743, %shift_right_arithmetic3A_745 : vector<16xi32>
      %shift_left3A_747 = arith.constant 10 : i32
      %shift_left3A_748 = vector.broadcast %shift_left3A_747 : i32 to vector<16xi32>
      %shift_left3A_749 = arith.shli %shift_right_arithmetic3A_746, %shift_left3A_748 : vector<16xi32>
      %and3A_750 = arith.constant 127 : i32
      %and3A_751 = vector.broadcast %and3A_750 : i32 to vector<16xi32>
      %and3A_752 = arith.andi %get3A_743, %and3A_751 : vector<16xi32>
      %add3A_753 = arith.addi %shift_left3A_749, %and3A_752 : vector<16xi32>
      %broadcast_in_dim3A_754 = vector.broadcast %add3A_691 : i32 to vector<16xi32>
      %add3A_755 = arith.addi %add3A_753, %broadcast_in_dim3A_754 : vector<16xi32>
      %mul3A_756 = arith.constant 128 : i32
      %mul3A_757 = arith.muli %add3A_646, %mul3A_756 : i32
      %add3A_758 = arith.constant 32 : i32
      %add3A_759 = arith.addi %mul3A_757, %add3A_758 : i32
      %swap3A_760 = arith.index_cast %add3A_759 : i32 to index
      %swap3A_761 = tpu.vector_load %arg7[%swap3A_760] {strides = array<i32>} : memref<8192xi32, #tpu.memory_space<vmem>>, vector<16xi32>,
      %swap3A_762 = vector.shape_cast %swap3A_761 : vector<16xi32> to vector<16xi32>
      %swap3A_763 = vector.shape_cast %add3A_755 : vector<16xi32> to vector<16xi32>
      tpu.vector_store %arg7[%swap3A_760], %swap3A_763 {strides = array<i32>} : memref<8192xi32, #tpu.memory_space<vmem>>, vector<16xi32>,
      %get3A_764 = arith.index_cast %add3A_646 : i32 to index
      %get3A_765 = arith.constant 48 : index
      %get3A_766 = tpu.vector_load %arg6[%get3A_764, %get3A_765] {strides = array<i32>} : memref<64x128xi32, #tpu.memory_space<vmem>>, vector<1x16xi32>,
      %get3A_767 = vector.shape_cast %get3A_766 : vector<1x16xi32> to vector<16xi32>
      %shift_right_arithmetic3A_768 = arith.constant 7 : i32
      %shift_right_arithmetic3A_769 = vector.broadcast %shift_right_arithmetic3A_768 : i32 to vector<16xi32>
      %shift_right_arithmetic3A_770 = arith.shrsi %get3A_767, %shift_right_arithmetic3A_769 : vector<16xi32>
      %shift_left3A_771 = arith.constant 10 : i32
      %shift_left3A_772 = vector.broadcast %shift_left3A_771 : i32 to vector<16xi32>
      %shift_left3A_773 = arith.shli %shift_right_arithmetic3A_770, %shift_left3A_772 : vector<16xi32>
      %and3A_774 = arith.constant 127 : i32
      %and3A_775 = vector.broadcast %and3A_774 : i32 to vector<16xi32>
      %and3A_776 = arith.andi %get3A_767, %and3A_775 : vector<16xi32>
      %add3A_777 = arith.addi %shift_left3A_773, %and3A_776 : vector<16xi32>
      %broadcast_in_dim3A_778 = vector.broadcast %add3A_691 : i32 to vector<16xi32>
      %add3A_779 = arith.addi %add3A_777, %broadcast_in_dim3A_778 : vector<16xi32>
      %mul3A_780 = arith.constant 128 : i32
      %mul3A_781 = arith.muli %add3A_646, %mul3A_780 : i32
      %add3A_782 = arith.constant 48 : i32
      %add3A_783 = arith.addi %mul3A_781, %add3A_782 : i32
      %swap3A_784 = arith.index_cast %add3A_783 : i32 to index
      %swap3A_785 = tpu.vector_load %arg7[%swap3A_784] {strides = array<i32>} : memref<8192xi32, #tpu.memory_space<vmem>>, vector<16xi32>,
      %swap3A_786 = vector.shape_cast %swap3A_785 : vector<16xi32> to vector<16xi32>
      %swap3A_787 = vector.shape_cast %add3A_779 : vector<16xi32> to vector<16xi32>
      tpu.vector_store %arg7[%swap3A_784], %swap3A_787 {strides = array<i32>} : memref<8192xi32, #tpu.memory_space<vmem>>, vector<16xi32>,
      %get3A_788 = arith.index_cast %add3A_646 : i32 to index
      %get3A_789 = arith.constant 64 : index
      %get3A_790 = tpu.vector_load %arg6[%get3A_788, %get3A_789] {strides = array<i32>} : memref<64x128xi32, #tpu.memory_space<vmem>>, vector<1x16xi32>,
      %get3A_791 = vector.shape_cast %get3A_790 : vector<1x16xi32> to vector<16xi32>
      %shift_right_arithmetic3A_792 = arith.constant 7 : i32
      %shift_right_arithmetic3A_793 = vector.broadcast %shift_right_arithmetic3A_792 : i32 to vector<16xi32>
      %shift_right_arithmetic3A_794 = arith.shrsi %get3A_791, %shift_right_arithmetic3A_793 : vector<16xi32>
      %shift_left3A_795 = arith.constant 10 : i32
      %shift_left3A_796 = vector.broadcast %shift_left3A_795 : i32 to vector<16xi32>
      %shift_left3A_797 = arith.shli %shift_right_arithmetic3A_794, %shift_left3A_796 : vector<16xi32>
      %and3A_798 = arith.constant 127 : i32
      %and3A_799 = vector.broadcast %and3A_798 : i32 to vector<16xi32>
      %and3A_800 = arith.andi %get3A_791, %and3A_799 : vector<16xi32>
      %add3A_801 = arith.addi %shift_left3A_797, %and3A_800 : vector<16xi32>
      %broadcast_in_dim3A_802 = vector.broadcast %add3A_691 : i32 to vector<16xi32>
      %add3A_803 = arith.addi %add3A_801, %broadcast_in_dim3A_802 : vector<16xi32>
      %mul3A_804 = arith.constant 128 : i32
      %mul3A_805 = arith.muli %add3A_646, %mul3A_804 : i32
      %add3A_806 = arith.constant 64 : i32
      %add3A_807 = arith.addi %mul3A_805, %add3A_806 : i32
      %swap3A_808 = arith.index_cast %add3A_807 : i32 to index
      %swap3A_809 = tpu.vector_load %arg7[%swap3A_808] {strides = array<i32>} : memref<8192xi32, #tpu.memory_space<vmem>>, vector<16xi32>,
      %swap3A_810 = vector.shape_cast %swap3A_809 : vector<16xi32> to vector<16xi32>
      %swap3A_811 = vector.shape_cast %add3A_803 : vector<16xi32> to vector<16xi32>
      tpu.vector_store %arg7[%swap3A_808], %swap3A_811 {strides = array<i32>} : memref<8192xi32, #tpu.memory_space<vmem>>, vector<16xi32>,
      %get3A_812 = arith.index_cast %add3A_646 : i32 to index
      %get3A_813 = arith.constant 80 : index
      %get3A_814 = tpu.vector_load %arg6[%get3A_812, %get3A_813] {strides = array<i32>} : memref<64x128xi32, #tpu.memory_space<vmem>>, vector<1x16xi32>,
      %get3A_815 = vector.shape_cast %get3A_814 : vector<1x16xi32> to vector<16xi32>
      %shift_right_arithmetic3A_816 = arith.constant 7 : i32
      %shift_right_arithmetic3A_817 = vector.broadcast %shift_right_arithmetic3A_816 : i32 to vector<16xi32>
      %shift_right_arithmetic3A_818 = arith.shrsi %get3A_815, %shift_right_arithmetic3A_817 : vector<16xi32>
      %shift_left3A_819 = arith.constant 10 : i32
      %shift_left3A_820 = vector.broadcast %shift_left3A_819 : i32 to vector<16xi32>
      %shift_left3A_821 = arith.shli %shift_right_arithmetic3A_818, %shift_left3A_820 : vector<16xi32>
      %and3A_822 = arith.constant 127 : i32
      %and3A_823 = vector.broadcast %and3A_822 : i32 to vector<16xi32>
      %and3A_824 = arith.andi %get3A_815, %and3A_823 : vector<16xi32>
      %add3A_825 = arith.addi %shift_left3A_821, %and3A_824 : vector<16xi32>
      %broadcast_in_dim3A_826 = vector.broadcast %add3A_691 : i32 to vector<16xi32>
      %add3A_827 = arith.addi %add3A_825, %broadcast_in_dim3A_826 : vector<16xi32>
      %mul3A_828 = arith.constant 128 : i32
      %mul3A_829 = arith.muli %add3A_646, %mul3A_828 : i32
      %add3A_830 = arith.constant 80 : i32
      %add3A_831 = arith.addi %mul3A_829, %add3A_830 : i32
      %swap3A_832 = arith.index_cast %add3A_831 : i32 to index
      %swap3A_833 = tpu.vector_load %arg7[%swap3A_832] {strides = array<i32>} : memref<8192xi32, #tpu.memory_space<vmem>>, vector<16xi32>,
      %swap3A_834 = vector.shape_cast %swap3A_833 : vector<16xi32> to vector<16xi32>
      %swap3A_835 = vector.shape_cast %add3A_827 : vector<16xi32> to vector<16xi32>
      tpu.vector_store %arg7[%swap3A_832], %swap3A_835 {strides = array<i32>} : memref<8192xi32, #tpu.memory_space<vmem>>, vector<16xi32>,
      %get3A_836 = arith.index_cast %add3A_646 : i32 to index
      %get3A_837 = arith.constant 96 : index
      %get3A_838 = tpu.vector_load %arg6[%get3A_836, %get3A_837] {strides = array<i32>} : memref<64x128xi32, #tpu.memory_space<vmem>>, vector<1x16xi32>,
      %get3A_839 = vector.shape_cast %get3A_838 : vector<1x16xi32> to vector<16xi32>
      %shift_right_arithmetic3A_840 = arith.constant 7 : i32
      %shift_right_arithmetic3A_841 = vector.broadcast %shift_right_arithmetic3A_840 : i32 to vector<16xi32>
      %shift_right_arithmetic3A_842 = arith.shrsi %get3A_839, %shift_right_arithmetic3A_841 : vector<16xi32>
      %shift_left3A_843 = arith.constant 10 : i32
      %shift_left3A_844 = vector.broadcast %shift_left3A_843 : i32 to vector<16xi32>
      %shift_left3A_845 = arith.shli %shift_right_arithmetic3A_842, %shift_left3A_844 : vector<16xi32>
      %and3A_846 = arith.constant 127 : i32
      %and3A_847 = vector.broadcast %and3A_846 : i32 to vector<16xi32>
      %and3A_848 = arith.andi %get3A_839, %and3A_847 : vector<16xi32>
      %add3A_849 = arith.addi %shift_left3A_845, %and3A_848 : vector<16xi32>
      %broadcast_in_dim3A_850 = vector.broadcast %add3A_691 : i32 to vector<16xi32>
      %add3A_851 = arith.addi %add3A_849, %broadcast_in_dim3A_850 : vector<16xi32>
      %mul3A_852 = arith.constant 128 : i32
      %mul3A_853 = arith.muli %add3A_646, %mul3A_852 : i32
      %add3A_854 = arith.constant 96 : i32
      %add3A_855 = arith.addi %mul3A_853, %add3A_854 : i32
      %swap3A_856 = arith.index_cast %add3A_855 : i32 to index
      %swap3A_857 = tpu.vector_load %arg7[%swap3A_856] {strides = array<i32>} : memref<8192xi32, #tpu.memory_space<vmem>>, vector<16xi32>,
      %swap3A_858 = vector.shape_cast %swap3A_857 : vector<16xi32> to vector<16xi32>
      %swap3A_859 = vector.shape_cast %add3A_851 : vector<16xi32> to vector<16xi32>
      tpu.vector_store %arg7[%swap3A_856], %swap3A_859 {strides = array<i32>} : memref<8192xi32, #tpu.memory_space<vmem>>, vector<16xi32>,
      %get3A_860 = arith.index_cast %add3A_646 : i32 to index
      %get3A_861 = arith.constant 112 : index
      %get3A_862 = tpu.vector_load %arg6[%get3A_860, %get3A_861] {strides = array<i32>} : memref<64x128xi32, #tpu.memory_space<vmem>>, vector<1x16xi32>,
      %get3A_863 = vector.shape_cast %get3A_862 : vector<1x16xi32> to vector<16xi32>
      %shift_right_arithmetic3A_864 = arith.constant 7 : i32
      %shift_right_arithmetic3A_865 = vector.broadcast %shift_right_arithmetic3A_864 : i32 to vector<16xi32>
      %shift_right_arithmetic3A_866 = arith.shrsi %get3A_863, %shift_right_arithmetic3A_865 : vector<16xi32>
      %shift_left3A_867 = arith.constant 10 : i32
      %shift_left3A_868 = vector.broadcast %shift_left3A_867 : i32 to vector<16xi32>
      %shift_left3A_869 = arith.shli %shift_right_arithmetic3A_866, %shift_left3A_868 : vector<16xi32>
      %and3A_870 = arith.constant 127 : i32
      %and3A_871 = vector.broadcast %and3A_870 : i32 to vector<16xi32>
      %and3A_872 = arith.andi %get3A_863, %and3A_871 : vector<16xi32>
      %add3A_873 = arith.addi %shift_left3A_869, %and3A_872 : vector<16xi32>
      %broadcast_in_dim3A_874 = vector.broadcast %add3A_691 : i32 to vector<16xi32>
      %add3A_875 = arith.addi %add3A_873, %broadcast_in_dim3A_874 : vector<16xi32>
      %mul3A_876 = arith.constant 128 : i32
      %mul3A_877 = arith.muli %add3A_646, %mul3A_876 : i32
      %add3A_878 = arith.constant 112 : i32
      %add3A_879 = arith.addi %mul3A_877, %add3A_878 : i32
      %swap3A_880 = arith.index_cast %add3A_879 : i32 to index
      %swap3A_881 = tpu.vector_load %arg7[%swap3A_880] {strides = array<i32>} : memref<8192xi32, #tpu.memory_space<vmem>>, vector<16xi32>,
      %swap3A_882 = vector.shape_cast %swap3A_881 : vector<16xi32> to vector<16xi32>
      %swap3A_883 = vector.shape_cast %add3A_875 : vector<16xi32> to vector<16xi32>
      tpu.vector_store %arg7[%swap3A_880], %swap3A_883 {strides = array<i32>} : memref<8192xi32, #tpu.memory_space<vmem>>, vector<16xi32>,
      %mul3A_884 = arith.constant 4 : i32
      %mul3A_885 = arith.muli %scan3A_171, %mul3A_884 : i32
      %add3A_886 = arith.constant 3 : i32
      %add3A_887 = arith.addi %mul3A_885, %add3A_886 : i32
      %jit3A_888 = arith.constant 8 : i32
      %div3A_889 = arith.divsi %add3A_887, %jit3A_888 : i32
      %sign3A_890 = arith.constant 0 : i32
      %sign3A_891 = arith.cmpi sgt, %add3A_887, %sign3A_890 : i32
      %sign3A_892 = arith.extui %sign3A_891 : i1 to i32
      %sign3A_893 = arith.constant 0 : i32
      %sign3A_894 = arith.cmpi slt, %add3A_887, %sign3A_893 : i32
      %sign3A_895 = arith.extui %sign3A_894 : i1 to i32
      %sign3A_896 = arith.subi %sign3A_892, %sign3A_895 : i32
      %sign3A_897 = arith.constant 0 : i32
      %sign3A_898 = arith.cmpi sgt, %jit3A_888, %sign3A_897 : i32
      %sign3A_899 = arith.extui %sign3A_898 : i1 to i32
      %sign3A_900 = arith.constant 0 : i32
      %sign3A_901 = arith.cmpi slt, %jit3A_888, %sign3A_900 : i32
      %sign3A_902 = arith.extui %sign3A_901 : i1 to i32
      %sign3A_903 = arith.subi %sign3A_899, %sign3A_902 : i32
      %ne3A_904 = arith.cmpi ne, %sign3A_896, %sign3A_903 : i32
      %rem3A_905 = arith.remsi %add3A_887, %jit3A_888 : i32
      %ne3A_906 = arith.constant 0 : i32
      %ne3A_907 = arith.cmpi ne, %rem3A_905, %ne3A_906 : i32
      %and3A_908 = arith.andi %ne3A_904, %ne3A_907 : i1
      %sub3A_909 = arith.constant 1 : i32
      %sub3A_910 = arith.subi %div3A_889, %sub3A_909 : i32
      %select_n3A_911 = arith.select %and3A_908, %sub3A_910, %div3A_889 : i32
      %mul3A_912 = arith.constant 524288 : i32
      %mul3A_913 = arith.muli %select_n3A_911, %mul3A_912 : i32
      %jit3A_914 = arith.constant 8 : i32
      %eq3A_915 = arith.constant 0 : i32
      %eq3A_916 = arith.cmpi eq, %jit3A_914, %eq3A_915 : i32
      %jit3A_917 = arith.constant 1 : i32
      %select_n3A_918 = arith.select %eq3A_916, %jit3A_917, %jit3A_914 : i32
      %rem3A_919 = arith.remsi %add3A_887, %select_n3A_918 : i32
      %ne3A_920 = arith.constant 0 : i32
      %ne3A_921 = arith.cmpi ne, %rem3A_919, %ne3A_920 : i32
      %lt3A_922 = arith.constant 0 : i32
      %lt3A_923 = arith.cmpi slt, %rem3A_919, %lt3A_922 : i32
      %lt3A_924 = arith.constant 0 : i32
      %lt3A_925 = arith.cmpi slt, %select_n3A_918, %lt3A_924 : i32
      %ne3A_926 = arith.xori %lt3A_923, %lt3A_925 : i1
      %and3A_927 = arith.andi %ne3A_926, %ne3A_921 : i1
      %add3A_928 = arith.addi %rem3A_919, %select_n3A_918 : i32
      %select_n3A_929 = arith.select %and3A_927, %add3A_928, %rem3A_919 : i32
      %mul3A_930 = arith.constant 128 : i32
      %mul3A_931 = arith.muli %select_n3A_929, %mul3A_930 : i32
      %add3A_932 = arith.addi %mul3A_913, %mul3A_931 : i32
      %get3A_933 = arith.index_cast %add3A_887 : i32 to index
      %get3A_934 = arith.constant 0 : index
      %get3A_935 = tpu.vector_load %arg6[%get3A_933, %get3A_934] {strides = array<i32>} : memref<64x128xi32, #tpu.memory_space<vmem>>, vector<1x16xi32>,
      %get3A_936 = vector.shape_cast %get3A_935 : vector<1x16xi32> to vector<16xi32>
      %shift_right_arithmetic3A_937 = arith.constant 7 : i32
      %shift_right_arithmetic3A_938 = vector.broadcast %shift_right_arithmetic3A_937 : i32 to vector<16xi32>
      %shift_right_arithmetic3A_939 = arith.shrsi %get3A_936, %shift_right_arithmetic3A_938 : vector<16xi32>
      %shift_left3A_940 = arith.constant 10 : i32
      %shift_left3A_941 = vector.broadcast %shift_left3A_940 : i32 to vector<16xi32>
      %shift_left3A_942 = arith.shli %shift_right_arithmetic3A_939, %shift_left3A_941 : vector<16xi32>
      %and3A_943 = arith.constant 127 : i32
      %and3A_944 = vector.broadcast %and3A_943 : i32 to vector<16xi32>
      %and3A_945 = arith.andi %get3A_936, %and3A_944 : vector<16xi32>
      %add3A_946 = arith.addi %shift_left3A_942, %and3A_945 : vector<16xi32>
      %broadcast_in_dim3A_947 = vector.broadcast %add3A_932 : i32 to vector<16xi32>
      %add3A_948 = arith.addi %add3A_946, %broadcast_in_dim3A_947 : vector<16xi32>
      %mul3A_949 = arith.constant 128 : i32
      %mul3A_950 = arith.muli %add3A_887, %mul3A_949 : i32
      %add3A_951 = arith.constant 0 : i32
      %add3A_952 = arith.addi %mul3A_950, %add3A_951 : i32
      %swap3A_953 = arith.index_cast %add3A_952 : i32 to index
      %swap3A_954 = tpu.vector_load %arg7[%swap3A_953] {strides = array<i32>} : memref<8192xi32, #tpu.memory_space<vmem>>, vector<16xi32>,
      %swap3A_955 = vector.shape_cast %swap3A_954 : vector<16xi32> to vector<16xi32>
      %swap3A_956 = vector.shape_cast %add3A_948 : vector<16xi32> to vector<16xi32>
      tpu.vector_store %arg7[%swap3A_953], %swap3A_956 {strides = array<i32>} : memref<8192xi32, #tpu.memory_space<vmem>>, vector<16xi32>,
      %get3A_957 = arith.index_cast %add3A_887 : i32 to index
      %get3A_958 = arith.constant 16 : index
      %get3A_959 = tpu.vector_load %arg6[%get3A_957, %get3A_958] {strides = array<i32>} : memref<64x128xi32, #tpu.memory_space<vmem>>, vector<1x16xi32>,
      %get3A_960 = vector.shape_cast %get3A_959 : vector<1x16xi32> to vector<16xi32>
      %shift_right_arithmetic3A_961 = arith.constant 7 : i32
      %shift_right_arithmetic3A_962 = vector.broadcast %shift_right_arithmetic3A_961 : i32 to vector<16xi32>
      %shift_right_arithmetic3A_963 = arith.shrsi %get3A_960, %shift_right_arithmetic3A_962 : vector<16xi32>
      %shift_left3A_964 = arith.constant 10 : i32
      %shift_left3A_965 = vector.broadcast %shift_left3A_964 : i32 to vector<16xi32>
      %shift_left3A_966 = arith.shli %shift_right_arithmetic3A_963, %shift_left3A_965 : vector<16xi32>
      %and3A_967 = arith.constant 127 : i32
      %and3A_968 = vector.broadcast %and3A_967 : i32 to vector<16xi32>
      %and3A_969 = arith.andi %get3A_960, %and3A_968 : vector<16xi32>
      %add3A_970 = arith.addi %shift_left3A_966, %and3A_969 : vector<16xi32>
      %broadcast_in_dim3A_971 = vector.broadcast %add3A_932 : i32 to vector<16xi32>
      %add3A_972 = arith.addi %add3A_970, %broadcast_in_dim3A_971 : vector<16xi32>
      %mul3A_973 = arith.constant 128 : i32
      %mul3A_974 = arith.muli %add3A_887, %mul3A_973 : i32
      %add3A_975 = arith.constant 16 : i32
      %add3A_976 = arith.addi %mul3A_974, %add3A_975 : i32
      %swap3A_977 = arith.index_cast %add3A_976 : i32 to index
      %swap3A_978 = tpu.vector_load %arg7[%swap3A_977] {strides = array<i32>} : memref<8192xi32, #tpu.memory_space<vmem>>, vector<16xi32>,
      %swap3A_979 = vector.shape_cast %swap3A_978 : vector<16xi32> to vector<16xi32>
      %swap3A_980 = vector.shape_cast %add3A_972 : vector<16xi32> to vector<16xi32>
      tpu.vector_store %arg7[%swap3A_977], %swap3A_980 {strides = array<i32>} : memref<8192xi32, #tpu.memory_space<vmem>>, vector<16xi32>,
      %get3A_981 = arith.index_cast %add3A_887 : i32 to index
      %get3A_982 = arith.constant 32 : index
      %get3A_983 = tpu.vector_load %arg6[%get3A_981, %get3A_982] {strides = array<i32>} : memref<64x128xi32, #tpu.memory_space<vmem>>, vector<1x16xi32>,
      %get3A_984 = vector.shape_cast %get3A_983 : vector<1x16xi32> to vector<16xi32>
      %shift_right_arithmetic3A_985 = arith.constant 7 : i32
      %shift_right_arithmetic3A_986 = vector.broadcast %shift_right_arithmetic3A_985 : i32 to vector<16xi32>
      %shift_right_arithmetic3A_987 = arith.shrsi %get3A_984, %shift_right_arithmetic3A_986 : vector<16xi32>
      %shift_left3A_988 = arith.constant 10 : i32
      %shift_left3A_989 = vector.broadcast %shift_left3A_988 : i32 to vector<16xi32>
      %shift_left3A_990 = arith.shli %shift_right_arithmetic3A_987, %shift_left3A_989 : vector<16xi32>
      %and3A_991 = arith.constant 127 : i32
      %and3A_992 = vector.broadcast %and3A_991 : i32 to vector<16xi32>
      %and3A_993 = arith.andi %get3A_984, %and3A_992 : vector<16xi32>
      %add3A_994 = arith.addi %shift_left3A_990, %and3A_993 : vector<16xi32>
      %broadcast_in_dim3A_995 = vector.broadcast %add3A_932 : i32 to vector<16xi32>
      %add3A_996 = arith.addi %add3A_994, %broadcast_in_dim3A_995 : vector<16xi32>
      %mul3A_997 = arith.constant 128 : i32
      %mul3A_998 = arith.muli %add3A_887, %mul3A_997 : i32
      %add3A_999 = arith.constant 32 : i32
      %add3A_1000 = arith.addi %mul3A_998, %add3A_999 : i32
      %swap3A_1001 = arith.index_cast %add3A_1000 : i32 to index
      %swap3A_1002 = tpu.vector_load %arg7[%swap3A_1001] {strides = array<i32>} : memref<8192xi32, #tpu.memory_space<vmem>>, vector<16xi32>,
      %swap3A_1003 = vector.shape_cast %swap3A_1002 : vector<16xi32> to vector<16xi32>
      %swap3A_1004 = vector.shape_cast %add3A_996 : vector<16xi32> to vector<16xi32>
      tpu.vector_store %arg7[%swap3A_1001], %swap3A_1004 {strides = array<i32>} : memref<8192xi32, #tpu.memory_space<vmem>>, vector<16xi32>,
      %get3A_1005 = arith.index_cast %add3A_887 : i32 to index
      %get3A_1006 = arith.constant 48 : index
      %get3A_1007 = tpu.vector_load %arg6[%get3A_1005, %get3A_1006] {strides = array<i32>} : memref<64x128xi32, #tpu.memory_space<vmem>>, vector<1x16xi32>,
      %get3A_1008 = vector.shape_cast %get3A_1007 : vector<1x16xi32> to vector<16xi32>
      %shift_right_arithmetic3A_1009 = arith.constant 7 : i32
      %shift_right_arithmetic3A_1010 = vector.broadcast %shift_right_arithmetic3A_1009 : i32 to vector<16xi32>
      %shift_right_arithmetic3A_1011 = arith.shrsi %get3A_1008, %shift_right_arithmetic3A_1010 : vector<16xi32>
      %shift_left3A_1012 = arith.constant 10 : i32
      %shift_left3A_1013 = vector.broadcast %shift_left3A_1012 : i32 to vector<16xi32>
      %shift_left3A_1014 = arith.shli %shift_right_arithmetic3A_1011, %shift_left3A_1013 : vector<16xi32>
      %and3A_1015 = arith.constant 127 : i32
      %and3A_1016 = vector.broadcast %and3A_1015 : i32 to vector<16xi32>
      %and3A_1017 = arith.andi %get3A_1008, %and3A_1016 : vector<16xi32>
      %add3A_1018 = arith.addi %shift_left3A_1014, %and3A_1017 : vector<16xi32>
      %broadcast_in_dim3A_1019 = vector.broadcast %add3A_932 : i32 to vector<16xi32>
      %add3A_1020 = arith.addi %add3A_1018, %broadcast_in_dim3A_1019 : vector<16xi32>
      %mul3A_1021 = arith.constant 128 : i32
      %mul3A_1022 = arith.muli %add3A_887, %mul3A_1021 : i32
      %add3A_1023 = arith.constant 48 : i32
      %add3A_1024 = arith.addi %mul3A_1022, %add3A_1023 : i32
      %swap3A_1025 = arith.index_cast %add3A_1024 : i32 to index
      %swap3A_1026 = tpu.vector_load %arg7[%swap3A_1025] {strides = array<i32>} : memref<8192xi32, #tpu.memory_space<vmem>>, vector<16xi32>,
      %swap3A_1027 = vector.shape_cast %swap3A_1026 : vector<16xi32> to vector<16xi32>
      %swap3A_1028 = vector.shape_cast %add3A_1020 : vector<16xi32> to vector<16xi32>
      tpu.vector_store %arg7[%swap3A_1025], %swap3A_1028 {strides = array<i32>} : memref<8192xi32, #tpu.memory_space<vmem>>, vector<16xi32>,
      %get3A_1029 = arith.index_cast %add3A_887 : i32 to index
      %get3A_1030 = arith.constant 64 : index
      %get3A_1031 = tpu.vector_load %arg6[%get3A_1029, %get3A_1030] {strides = array<i32>} : memref<64x128xi32, #tpu.memory_space<vmem>>, vector<1x16xi32>,
      %get3A_1032 = vector.shape_cast %get3A_1031 : vector<1x16xi32> to vector<16xi32>
      %shift_right_arithmetic3A_1033 = arith.constant 7 : i32
      %shift_right_arithmetic3A_1034 = vector.broadcast %shift_right_arithmetic3A_1033 : i32 to vector<16xi32>
      %shift_right_arithmetic3A_1035 = arith.shrsi %get3A_1032, %shift_right_arithmetic3A_1034 : vector<16xi32>
      %shift_left3A_1036 = arith.constant 10 : i32
      %shift_left3A_1037 = vector.broadcast %shift_left3A_1036 : i32 to vector<16xi32>
      %shift_left3A_1038 = arith.shli %shift_right_arithmetic3A_1035, %shift_left3A_1037 : vector<16xi32>
      %and3A_1039 = arith.constant 127 : i32
      %and3A_1040 = vector.broadcast %and3A_1039 : i32 to vector<16xi32>
      %and3A_1041 = arith.andi %get3A_1032, %and3A_1040 : vector<16xi32>
      %add3A_1042 = arith.addi %shift_left3A_1038, %and3A_1041 : vector<16xi32>
      %broadcast_in_dim3A_1043 = vector.broadcast %add3A_932 : i32 to vector<16xi32>
      %add3A_1044 = arith.addi %add3A_1042, %broadcast_in_dim3A_1043 : vector<16xi32>
      %mul3A_1045 = arith.constant 128 : i32
      %mul3A_1046 = arith.muli %add3A_887, %mul3A_1045 : i32
      %add3A_1047 = arith.constant 64 : i32
      %add3A_1048 = arith.addi %mul3A_1046, %add3A_1047 : i32
      %swap3A_1049 = arith.index_cast %add3A_1048 : i32 to index
      %swap3A_1050 = tpu.vector_load %arg7[%swap3A_1049] {strides = array<i32>} : memref<8192xi32, #tpu.memory_space<vmem>>, vector<16xi32>,
      %swap3A_1051 = vector.shape_cast %swap3A_1050 : vector<16xi32> to vector<16xi32>
      %swap3A_1052 = vector.shape_cast %add3A_1044 : vector<16xi32> to vector<16xi32>
      tpu.vector_store %arg7[%swap3A_1049], %swap3A_1052 {strides = array<i32>} : memref<8192xi32, #tpu.memory_space<vmem>>, vector<16xi32>,
      %get3A_1053 = arith.index_cast %add3A_887 : i32 to index
      %get3A_1054 = arith.constant 80 : index
      %get3A_1055 = tpu.vector_load %arg6[%get3A_1053, %get3A_1054] {strides = array<i32>} : memref<64x128xi32, #tpu.memory_space<vmem>>, vector<1x16xi32>,
      %get3A_1056 = vector.shape_cast %get3A_1055 : vector<1x16xi32> to vector<16xi32>
      %shift_right_arithmetic3A_1057 = arith.constant 7 : i32
      %shift_right_arithmetic3A_1058 = vector.broadcast %shift_right_arithmetic3A_1057 : i32 to vector<16xi32>
      %shift_right_arithmetic3A_1059 = arith.shrsi %get3A_1056, %shift_right_arithmetic3A_1058 : vector<16xi32>
      %shift_left3A_1060 = arith.constant 10 : i32
      %shift_left3A_1061 = vector.broadcast %shift_left3A_1060 : i32 to vector<16xi32>
      %shift_left3A_1062 = arith.shli %shift_right_arithmetic3A_1059, %shift_left3A_1061 : vector<16xi32>
      %and3A_1063 = arith.constant 127 : i32
      %and3A_1064 = vector.broadcast %and3A_1063 : i32 to vector<16xi32>
      %and3A_1065 = arith.andi %get3A_1056, %and3A_1064 : vector<16xi32>
      %add3A_1066 = arith.addi %shift_left3A_1062, %and3A_1065 : vector<16xi32>
      %broadcast_in_dim3A_1067 = vector.broadcast %add3A_932 : i32 to vector<16xi32>
      %add3A_1068 = arith.addi %add3A_1066, %broadcast_in_dim3A_1067 : vector<16xi32>
      %mul3A_1069 = arith.constant 128 : i32
      %mul3A_1070 = arith.muli %add3A_887, %mul3A_1069 : i32
      %add3A_1071 = arith.constant 80 : i32
      %add3A_1072 = arith.addi %mul3A_1070, %add3A_1071 : i32
      %swap3A_1073 = arith.index_cast %add3A_1072 : i32 to index
      %swap3A_1074 = tpu.vector_load %arg7[%swap3A_1073] {strides = array<i32>} : memref<8192xi32, #tpu.memory_space<vmem>>, vector<16xi32>,
      %swap3A_1075 = vector.shape_cast %swap3A_1074 : vector<16xi32> to vector<16xi32>
      %swap3A_1076 = vector.shape_cast %add3A_1068 : vector<16xi32> to vector<16xi32>
      tpu.vector_store %arg7[%swap3A_1073], %swap3A_1076 {strides = array<i32>} : memref<8192xi32, #tpu.memory_space<vmem>>, vector<16xi32>,
      %get3A_1077 = arith.index_cast %add3A_887 : i32 to index
      %get3A_1078 = arith.constant 96 : index
      %get3A_1079 = tpu.vector_load %arg6[%get3A_1077, %get3A_1078] {strides = array<i32>} : memref<64x128xi32, #tpu.memory_space<vmem>>, vector<1x16xi32>,
      %get3A_1080 = vector.shape_cast %get3A_1079 : vector<1x16xi32> to vector<16xi32>
      %shift_right_arithmetic3A_1081 = arith.constant 7 : i32
      %shift_right_arithmetic3A_1082 = vector.broadcast %shift_right_arithmetic3A_1081 : i32 to vector<16xi32>
      %shift_right_arithmetic3A_1083 = arith.shrsi %get3A_1080, %shift_right_arithmetic3A_1082 : vector<16xi32>
      %shift_left3A_1084 = arith.constant 10 : i32
      %shift_left3A_1085 = vector.broadcast %shift_left3A_1084 : i32 to vector<16xi32>
      %shift_left3A_1086 = arith.shli %shift_right_arithmetic3A_1083, %shift_left3A_1085 : vector<16xi32>
      %and3A_1087 = arith.constant 127 : i32
      %and3A_1088 = vector.broadcast %and3A_1087 : i32 to vector<16xi32>
      %and3A_1089 = arith.andi %get3A_1080, %and3A_1088 : vector<16xi32>
      %add3A_1090 = arith.addi %shift_left3A_1086, %and3A_1089 : vector<16xi32>
      %broadcast_in_dim3A_1091 = vector.broadcast %add3A_932 : i32 to vector<16xi32>
      %add3A_1092 = arith.addi %add3A_1090, %broadcast_in_dim3A_1091 : vector<16xi32>
      %mul3A_1093 = arith.constant 128 : i32
      %mul3A_1094 = arith.muli %add3A_887, %mul3A_1093 : i32
      %add3A_1095 = arith.constant 96 : i32
      %add3A_1096 = arith.addi %mul3A_1094, %add3A_1095 : i32
      %swap3A_1097 = arith.index_cast %add3A_1096 : i32 to index
      %swap3A_1098 = tpu.vector_load %arg7[%swap3A_1097] {strides = array<i32>} : memref<8192xi32, #tpu.memory_space<vmem>>, vector<16xi32>,
      %swap3A_1099 = vector.shape_cast %swap3A_1098 : vector<16xi32> to vector<16xi32>
      %swap3A_1100 = vector.shape_cast %add3A_1092 : vector<16xi32> to vector<16xi32>
      tpu.vector_store %arg7[%swap3A_1097], %swap3A_1100 {strides = array<i32>} : memref<8192xi32, #tpu.memory_space<vmem>>, vector<16xi32>,
      %get3A_1101 = arith.index_cast %add3A_887 : i32 to index
      %get3A_1102 = arith.constant 112 : index
      %get3A_1103 = tpu.vector_load %arg6[%get3A_1101, %get3A_1102] {strides = array<i32>} : memref<64x128xi32, #tpu.memory_space<vmem>>, vector<1x16xi32>,
      %get3A_1104 = vector.shape_cast %get3A_1103 : vector<1x16xi32> to vector<16xi32>
      %shift_right_arithmetic3A_1105 = arith.constant 7 : i32
      %shift_right_arithmetic3A_1106 = vector.broadcast %shift_right_arithmetic3A_1105 : i32 to vector<16xi32>
      %shift_right_arithmetic3A_1107 = arith.shrsi %get3A_1104, %shift_right_arithmetic3A_1106 : vector<16xi32>
      %shift_left3A_1108 = arith.constant 10 : i32
      %shift_left3A_1109 = vector.broadcast %shift_left3A_1108 : i32 to vector<16xi32>
      %shift_left3A_1110 = arith.shli %shift_right_arithmetic3A_1107, %shift_left3A_1109 : vector<16xi32>
      %and3A_1111 = arith.constant 127 : i32
      %and3A_1112 = vector.broadcast %and3A_1111 : i32 to vector<16xi32>
      %and3A_1113 = arith.andi %get3A_1104, %and3A_1112 : vector<16xi32>
      %add3A_1114 = arith.addi %shift_left3A_1110, %and3A_1113 : vector<16xi32>
      %broadcast_in_dim3A_1115 = vector.broadcast %add3A_932 : i32 to vector<16xi32>
      %add3A_1116 = arith.addi %add3A_1114, %broadcast_in_dim3A_1115 : vector<16xi32>
      %mul3A_1117 = arith.constant 128 : i32
      %mul3A_1118 = arith.muli %add3A_887, %mul3A_1117 : i32
      %add3A_1119 = arith.constant 112 : i32
      %add3A_1120 = arith.addi %mul3A_1118, %add3A_1119 : i32
      %swap3A_1121 = arith.index_cast %add3A_1120 : i32 to index
      %swap3A_1122 = tpu.vector_load %arg7[%swap3A_1121] {strides = array<i32>} : memref<8192xi32, #tpu.memory_space<vmem>>, vector<16xi32>,
      %swap3A_1123 = vector.shape_cast %swap3A_1122 : vector<16xi32> to vector<16xi32>
      %swap3A_1124 = vector.shape_cast %add3A_1116 : vector<16xi32> to vector<16xi32>
      tpu.vector_store %arg7[%swap3A_1121], %swap3A_1124 {strides = array<i32>} : memref<8192xi32, #tpu.memory_space<vmem>>, vector<16xi32>,
      %mul3A_1125 = arith.constant 512 : i32
      %mul3A_1126 = arith.muli %scan3A_171, %mul3A_1125 : i32
      %dma_start3A = tpu.memref_slice %arg8[%mul3A_1126] : memref<8192xf32, #tpu.memory_space<vmem>> -> memref<512xf32, #tpu.memory_space<vmem>>
      %dma_start3A_1127 = tpu.memref_slice %arg7[%mul3A_1126] : memref<8192xi32, #tpu.memory_space<vmem>> -> memref<512xi32, #tpu.memory_space<vmem>>
      %dma_start3A_1128 = arith.constant 0 : i32
      %dma_start3A_1129 = tpu.memref_slice %arg3[%dma_start3A_1128] : memref<4194304xf32, #tpu.memory_space<hbm>> -> memref<4194304xf32, #tpu.memory_space<hbm>>
      tpu.enqueue_indirect_dma source(%dma_start3A_1129 : memref<4194304xf32, #tpu.memory_space<hbm>>) target(%dma_start3A : memref<512xf32, #tpu.memory_space<vmem>>) offsets(%dma_start3A_1127 : memref<512xi32, #tpu.memory_space<vmem>>) semaphore(%arg11 : memref<!tpu.dma_semaphore, #tpu.memory_space<semaphore_mem>>)
      %dma_start3A_1130 = tpu.memref_slice %arg9[%mul3A_1126] : memref<8192xf32, #tpu.memory_space<vmem>> -> memref<512xf32, #tpu.memory_space<vmem>>
      %dma_start3A_1131 = tpu.memref_slice %arg7[%mul3A_1126] : memref<8192xi32, #tpu.memory_space<vmem>> -> memref<512xi32, #tpu.memory_space<vmem>>
      %dma_start3A_1132 = arith.constant 0 : i32
      %dma_start3A_1133 = tpu.memref_slice %arg4[%dma_start3A_1132] : memref<4194304xf32, #tpu.memory_space<hbm>> -> memref<4194304xf32, #tpu.memory_space<hbm>>
      tpu.enqueue_indirect_dma source(%dma_start3A_1133 : memref<4194304xf32, #tpu.memory_space<hbm>>) target(%dma_start3A_1130 : memref<512xf32, #tpu.memory_space<vmem>>) offsets(%dma_start3A_1131 : memref<512xi32, #tpu.memory_space<vmem>>) semaphore(%arg12 : memref<!tpu.dma_semaphore, #tpu.memory_space<semaphore_mem>>)
    }
    %scan3A_7 = arith.constant 16 : i32
    %scan3A_8 = arith.constant 0 : i32
    %scan3A_9 = arith.constant 0 : i32
    %scan3A_10 = arith.constant 16 : i32
    %scan3A_11 = arith.addi %scan3A_9, %scan3A_10 : i32
    %scan3A_12 = arith.constant 1 : i32
    scf.for %scan3A_171 = %scan3A_9 to %scan3A_11 step %scan3A_12  : i32 {
      %mul3A_172 = arith.constant 512 : i32
      %mul3A_173 = arith.muli %scan3A_171, %mul3A_172 : i32
      %dma_wait3A = tpu.memref_slice %arg8[%mul3A_173] : memref<8192xf32, #tpu.memory_space<vmem>> -> memref<512xf32, #tpu.memory_space<vmem>>
      %dma_wait3A_174 = tpu.memref_slice %arg7[%mul3A_173] : memref<8192xi32, #tpu.memory_space<vmem>> -> memref<512xi32, #tpu.memory_space<vmem>>
      %dma_wait3A_175 = arith.constant 0 : i32
      %dma_wait3A_176 = tpu.memref_slice %arg3[%dma_wait3A_175] : memref<4194304xf32, #tpu.memory_space<hbm>> -> memref<4194304xf32, #tpu.memory_space<hbm>>
      tpu.wait_indirect_dma semaphore(%arg11 : memref<!tpu.dma_semaphore, #tpu.memory_space<semaphore_mem>>) src(%dma_wait3A_176 : memref<4194304xf32, #tpu.memory_space<hbm>>) dst(%dma_wait3A : memref<512xf32, #tpu.memory_space<vmem>>)
    }
    %scan3A_13 = arith.constant 16 : i32
    %broadcast_in_dim3A = arith.constant 0.000000e+00 : f32
    %broadcast_in_dim3A_14 = vector.broadcast %broadcast_in_dim3A : f32 to vector<16xf32>
    %broadcast_in_dim3A_15 = arith.constant 0.000000e+00 : f32
    %broadcast_in_dim3A_16 = vector.broadcast %broadcast_in_dim3A_15 : f32 to vector<16xf32>
    %broadcast_in_dim3A_17 = arith.constant 0.000000e+00 : f32
    %broadcast_in_dim3A_18 = vector.broadcast %broadcast_in_dim3A_17 : f32 to vector<16xf32>
    %broadcast_in_dim3A_19 = arith.constant 0.000000e+00 : f32
    %broadcast_in_dim3A_20 = vector.broadcast %broadcast_in_dim3A_19 : f32 to vector<16xf32>
    %broadcast_in_dim3A_21 = arith.constant 0.000000e+00 : f32
    %broadcast_in_dim3A_22 = vector.broadcast %broadcast_in_dim3A_21 : f32 to vector<16xf32>
    %broadcast_in_dim3A_23 = arith.constant 0.000000e+00 : f32
    %broadcast_in_dim3A_24 = vector.broadcast %broadcast_in_dim3A_23 : f32 to vector<16xf32>
    %broadcast_in_dim3A_25 = arith.constant 0.000000e+00 : f32
    %broadcast_in_dim3A_26 = vector.broadcast %broadcast_in_dim3A_25 : f32 to vector<16xf32>
    %broadcast_in_dim3A_27 = arith.constant 0.000000e+00 : f32
    %broadcast_in_dim3A_28 = vector.broadcast %broadcast_in_dim3A_27 : f32 to vector<16xf32>
    %scan3A_29 = arith.constant 0 : i32
    %scan3A_30 = arith.constant 64 : i32
    %scan3A_31 = arith.addi %scan3A_29, %scan3A_30 : i32
    %scan3A_32 = arith.constant 1 : i32
    %scan3A_33:8 = scf.for %scan3A_171 = %scan3A_29 to %scan3A_31 step %scan3A_32 iter_args(%scan3A_172 = %broadcast_in_dim3A_14, %scan3A_173 = %broadcast_in_dim3A_16, %scan3A_174 = %broadcast_in_dim3A_18, %scan3A_175 = %broadcast_in_dim3A_20, %scan3A_176 = %broadcast_in_dim3A_22, %scan3A_177 = %broadcast_in_dim3A_24, %scan3A_178 = %broadcast_in_dim3A_26, %scan3A_179 = %broadcast_in_dim3A_28) -> (vector<16xf32>, vector<16xf32>, vector<16xf32>, vector<16xf32>, vector<16xf32>, vector<16xf32>, vector<16xf32>, vector<16xf32>)  : i32 {
      %mul3A_180 = arith.constant 128 : i32
      %mul3A_181 = arith.muli %scan3A_171, %mul3A_180 : i32
      %add3A_182 = arith.constant 0 : i32
      %add3A_183 = arith.addi %mul3A_181, %add3A_182 : i32
      %get3A = arith.index_cast %add3A_183 : i32 to index
      %get3A_184 = tpu.vector_load %arg8[%get3A] {strides = array<i32>} : memref<8192xf32, #tpu.memory_space<vmem>>, vector<16xf32>,
      %get3A_185 = vector.shape_cast %get3A_184 : vector<16xf32> to vector<16xf32>
      %add3A_186 = arith.addf %scan3A_172, %get3A_185 : vector<16xf32>
      %mul3A_187 = arith.constant 128 : i32
      %mul3A_188 = arith.muli %scan3A_171, %mul3A_187 : i32
      %add3A_189 = arith.constant 16 : i32
      %add3A_190 = arith.addi %mul3A_188, %add3A_189 : i32
      %get3A_191 = arith.index_cast %add3A_190 : i32 to index
      %get3A_192 = tpu.vector_load %arg8[%get3A_191] {strides = array<i32>} : memref<8192xf32, #tpu.memory_space<vmem>>, vector<16xf32>,
      %get3A_193 = vector.shape_cast %get3A_192 : vector<16xf32> to vector<16xf32>
      %add3A_194 = arith.addf %scan3A_173, %get3A_193 : vector<16xf32>
      %mul3A_195 = arith.constant 128 : i32
      %mul3A_196 = arith.muli %scan3A_171, %mul3A_195 : i32
      %add3A_197 = arith.constant 32 : i32
      %add3A_198 = arith.addi %mul3A_196, %add3A_197 : i32
      %get3A_199 = arith.index_cast %add3A_198 : i32 to index
      %get3A_200 = tpu.vector_load %arg8[%get3A_199] {strides = array<i32>} : memref<8192xf32, #tpu.memory_space<vmem>>, vector<16xf32>,
      %get3A_201 = vector.shape_cast %get3A_200 : vector<16xf32> to vector<16xf32>
      %add3A_202 = arith.addf %scan3A_174, %get3A_201 : vector<16xf32>
      %mul3A_203 = arith.constant 128 : i32
      %mul3A_204 = arith.muli %scan3A_171, %mul3A_203 : i32
      %add3A_205 = arith.constant 48 : i32
      %add3A_206 = arith.addi %mul3A_204, %add3A_205 : i32
      %get3A_207 = arith.index_cast %add3A_206 : i32 to index
      %get3A_208 = tpu.vector_load %arg8[%get3A_207] {strides = array<i32>} : memref<8192xf32, #tpu.memory_space<vmem>>, vector<16xf32>,
      %get3A_209 = vector.shape_cast %get3A_208 : vector<16xf32> to vector<16xf32>
      %add3A_210 = arith.addf %scan3A_175, %get3A_209 : vector<16xf32>
      %mul3A_211 = arith.constant 128 : i32
      %mul3A_212 = arith.muli %scan3A_171, %mul3A_211 : i32
      %add3A_213 = arith.constant 64 : i32
      %add3A_214 = arith.addi %mul3A_212, %add3A_213 : i32
      %get3A_215 = arith.index_cast %add3A_214 : i32 to index
      %get3A_216 = tpu.vector_load %arg8[%get3A_215] {strides = array<i32>} : memref<8192xf32, #tpu.memory_space<vmem>>, vector<16xf32>,
      %get3A_217 = vector.shape_cast %get3A_216 : vector<16xf32> to vector<16xf32>
      %add3A_218 = arith.addf %scan3A_176, %get3A_217 : vector<16xf32>
      %mul3A_219 = arith.constant 128 : i32
      %mul3A_220 = arith.muli %scan3A_171, %mul3A_219 : i32
      %add3A_221 = arith.constant 80 : i32
      %add3A_222 = arith.addi %mul3A_220, %add3A_221 : i32
      %get3A_223 = arith.index_cast %add3A_222 : i32 to index
      %get3A_224 = tpu.vector_load %arg8[%get3A_223] {strides = array<i32>} : memref<8192xf32, #tpu.memory_space<vmem>>, vector<16xf32>,
      %get3A_225 = vector.shape_cast %get3A_224 : vector<16xf32> to vector<16xf32>
      %add3A_226 = arith.addf %scan3A_177, %get3A_225 : vector<16xf32>
      %mul3A_227 = arith.constant 128 : i32
      %mul3A_228 = arith.muli %scan3A_171, %mul3A_227 : i32
      %add3A_229 = arith.constant 96 : i32
      %add3A_230 = arith.addi %mul3A_228, %add3A_229 : i32
      %get3A_231 = arith.index_cast %add3A_230 : i32 to index
      %get3A_232 = tpu.vector_load %arg8[%get3A_231] {strides = array<i32>} : memref<8192xf32, #tpu.memory_space<vmem>>, vector<16xf32>,
      %get3A_233 = vector.shape_cast %get3A_232 : vector<16xf32> to vector<16xf32>
      %add3A_234 = arith.addf %scan3A_178, %get3A_233 : vector<16xf32>
      %mul3A_235 = arith.constant 128 : i32
      %mul3A_236 = arith.muli %scan3A_171, %mul3A_235 : i32
      %add3A_237 = arith.constant 112 : i32
      %add3A_238 = arith.addi %mul3A_236, %add3A_237 : i32
      %get3A_239 = arith.index_cast %add3A_238 : i32 to index
      %get3A_240 = tpu.vector_load %arg8[%get3A_239] {strides = array<i32>} : memref<8192xf32, #tpu.memory_space<vmem>>, vector<16xf32>,
      %get3A_241 = vector.shape_cast %get3A_240 : vector<16xf32> to vector<16xf32>
      %add3A_242 = arith.addf %scan3A_179, %get3A_241 : vector<16xf32>
      scf.yield %add3A_186, %add3A_194, %add3A_202, %add3A_210, %add3A_218, %add3A_226, %add3A_234, %add3A_242 : vector<16xf32>, vector<16xf32>, vector<16xf32>, vector<16xf32>, vector<16xf32>, vector<16xf32>, vector<16xf32>, vector<16xf32>
    }
    %scan3A_34 = arith.constant 64 : i32
    %scan3A_35 = arith.constant 0 : i32
    %scan3A_36 = arith.constant 0 : i32
    %scan3A_37 = arith.constant 16 : i32
    %scan3A_38 = arith.addi %scan3A_36, %scan3A_37 : i32
    %scan3A_39 = arith.constant 1 : i32
    scf.for %scan3A_171 = %scan3A_36 to %scan3A_38 step %scan3A_39  : i32 {
      %mul3A_172 = arith.constant 512 : i32
      %mul3A_173 = arith.muli %scan3A_171, %mul3A_172 : i32
      %dma_wait3A = tpu.memref_slice %arg9[%mul3A_173] : memref<8192xf32, #tpu.memory_space<vmem>> -> memref<512xf32, #tpu.memory_space<vmem>>
      %dma_wait3A_174 = tpu.memref_slice %arg7[%mul3A_173] : memref<8192xi32, #tpu.memory_space<vmem>> -> memref<512xi32, #tpu.memory_space<vmem>>
      %dma_wait3A_175 = arith.constant 0 : i32
      %dma_wait3A_176 = tpu.memref_slice %arg4[%dma_wait3A_175] : memref<4194304xf32, #tpu.memory_space<hbm>> -> memref<4194304xf32, #tpu.memory_space<hbm>>
      tpu.wait_indirect_dma semaphore(%arg12 : memref<!tpu.dma_semaphore, #tpu.memory_space<semaphore_mem>>) src(%dma_wait3A_176 : memref<4194304xf32, #tpu.memory_space<hbm>>) dst(%dma_wait3A : memref<512xf32, #tpu.memory_space<vmem>>)
    }
    %scan3A_40 = arith.constant 16 : i32
    %broadcast_in_dim3A_41 = arith.constant 0.000000e+00 : f32
    %broadcast_in_dim3A_42 = vector.broadcast %broadcast_in_dim3A_41 : f32 to vector<16xf32>
    %broadcast_in_dim3A_43 = arith.constant 0.000000e+00 : f32
    %broadcast_in_dim3A_44 = vector.broadcast %broadcast_in_dim3A_43 : f32 to vector<16xf32>
    %broadcast_in_dim3A_45 = arith.constant 0.000000e+00 : f32
    %broadcast_in_dim3A_46 = vector.broadcast %broadcast_in_dim3A_45 : f32 to vector<16xf32>
    %broadcast_in_dim3A_47 = arith.constant 0.000000e+00 : f32
    %broadcast_in_dim3A_48 = vector.broadcast %broadcast_in_dim3A_47 : f32 to vector<16xf32>
    %broadcast_in_dim3A_49 = arith.constant 0.000000e+00 : f32
    %broadcast_in_dim3A_50 = vector.broadcast %broadcast_in_dim3A_49 : f32 to vector<16xf32>
    %broadcast_in_dim3A_51 = arith.constant 0.000000e+00 : f32
    %broadcast_in_dim3A_52 = vector.broadcast %broadcast_in_dim3A_51 : f32 to vector<16xf32>
    %broadcast_in_dim3A_53 = arith.constant 0.000000e+00 : f32
    %broadcast_in_dim3A_54 = vector.broadcast %broadcast_in_dim3A_53 : f32 to vector<16xf32>
    %broadcast_in_dim3A_55 = arith.constant 0.000000e+00 : f32
    %broadcast_in_dim3A_56 = vector.broadcast %broadcast_in_dim3A_55 : f32 to vector<16xf32>
    %scan3A_57 = arith.constant 0 : i32
    %scan3A_58 = arith.constant 64 : i32
    %scan3A_59 = arith.addi %scan3A_57, %scan3A_58 : i32
    %scan3A_60 = arith.constant 1 : i32
    %scan3A_61:8 = scf.for %scan3A_171 = %scan3A_57 to %scan3A_59 step %scan3A_60 iter_args(%scan3A_172 = %broadcast_in_dim3A_42, %scan3A_173 = %broadcast_in_dim3A_44, %scan3A_174 = %broadcast_in_dim3A_46, %scan3A_175 = %broadcast_in_dim3A_48, %scan3A_176 = %broadcast_in_dim3A_50, %scan3A_177 = %broadcast_in_dim3A_52, %scan3A_178 = %broadcast_in_dim3A_54, %scan3A_179 = %broadcast_in_dim3A_56) -> (vector<16xf32>, vector<16xf32>, vector<16xf32>, vector<16xf32>, vector<16xf32>, vector<16xf32>, vector<16xf32>, vector<16xf32>)  : i32 {
      %mul3A_180 = arith.constant 128 : i32
      %mul3A_181 = arith.muli %scan3A_171, %mul3A_180 : i32
      %add3A_182 = arith.constant 0 : i32
      %add3A_183 = arith.addi %mul3A_181, %add3A_182 : i32
      %get3A = arith.index_cast %add3A_183 : i32 to index
      %get3A_184 = tpu.vector_load %arg9[%get3A] {strides = array<i32>} : memref<8192xf32, #tpu.memory_space<vmem>>, vector<16xf32>,
      %get3A_185 = vector.shape_cast %get3A_184 : vector<16xf32> to vector<16xf32>
      %add3A_186 = arith.addf %scan3A_172, %get3A_185 : vector<16xf32>
      %mul3A_187 = arith.constant 128 : i32
      %mul3A_188 = arith.muli %scan3A_171, %mul3A_187 : i32
      %add3A_189 = arith.constant 16 : i32
      %add3A_190 = arith.addi %mul3A_188, %add3A_189 : i32
      %get3A_191 = arith.index_cast %add3A_190 : i32 to index
      %get3A_192 = tpu.vector_load %arg9[%get3A_191] {strides = array<i32>} : memref<8192xf32, #tpu.memory_space<vmem>>, vector<16xf32>,
      %get3A_193 = vector.shape_cast %get3A_192 : vector<16xf32> to vector<16xf32>
      %add3A_194 = arith.addf %scan3A_173, %get3A_193 : vector<16xf32>
      %mul3A_195 = arith.constant 128 : i32
      %mul3A_196 = arith.muli %scan3A_171, %mul3A_195 : i32
      %add3A_197 = arith.constant 32 : i32
      %add3A_198 = arith.addi %mul3A_196, %add3A_197 : i32
      %get3A_199 = arith.index_cast %add3A_198 : i32 to index
      %get3A_200 = tpu.vector_load %arg9[%get3A_199] {strides = array<i32>} : memref<8192xf32, #tpu.memory_space<vmem>>, vector<16xf32>,
      %get3A_201 = vector.shape_cast %get3A_200 : vector<16xf32> to vector<16xf32>
      %add3A_202 = arith.addf %scan3A_174, %get3A_201 : vector<16xf32>
      %mul3A_203 = arith.constant 128 : i32
      %mul3A_204 = arith.muli %scan3A_171, %mul3A_203 : i32
      %add3A_205 = arith.constant 48 : i32
      %add3A_206 = arith.addi %mul3A_204, %add3A_205 : i32
      %get3A_207 = arith.index_cast %add3A_206 : i32 to index
      %get3A_208 = tpu.vector_load %arg9[%get3A_207] {strides = array<i32>} : memref<8192xf32, #tpu.memory_space<vmem>>, vector<16xf32>,
      %get3A_209 = vector.shape_cast %get3A_208 : vector<16xf32> to vector<16xf32>
      %add3A_210 = arith.addf %scan3A_175, %get3A_209 : vector<16xf32>
      %mul3A_211 = arith.constant 128 : i32
      %mul3A_212 = arith.muli %scan3A_171, %mul3A_211 : i32
      %add3A_213 = arith.constant 64 : i32
      %add3A_214 = arith.addi %mul3A_212, %add3A_213 : i32
      %get3A_215 = arith.index_cast %add3A_214 : i32 to index
      %get3A_216 = tpu.vector_load %arg9[%get3A_215] {strides = array<i32>} : memref<8192xf32, #tpu.memory_space<vmem>>, vector<16xf32>,
      %get3A_217 = vector.shape_cast %get3A_216 : vector<16xf32> to vector<16xf32>
      %add3A_218 = arith.addf %scan3A_176, %get3A_217 : vector<16xf32>
      %mul3A_219 = arith.constant 128 : i32
      %mul3A_220 = arith.muli %scan3A_171, %mul3A_219 : i32
      %add3A_221 = arith.constant 80 : i32
      %add3A_222 = arith.addi %mul3A_220, %add3A_221 : i32
      %get3A_223 = arith.index_cast %add3A_222 : i32 to index
      %get3A_224 = tpu.vector_load %arg9[%get3A_223] {strides = array<i32>} : memref<8192xf32, #tpu.memory_space<vmem>>, vector<16xf32>,
      %get3A_225 = vector.shape_cast %get3A_224 : vector<16xf32> to vector<16xf32>
      %add3A_226 = arith.addf %scan3A_177, %get3A_225 : vector<16xf32>
      %mul3A_227 = arith.constant 128 : i32
      %mul3A_228 = arith.muli %scan3A_171, %mul3A_227 : i32
      %add3A_229 = arith.constant 96 : i32
      %add3A_230 = arith.addi %mul3A_228, %add3A_229 : i32
      %get3A_231 = arith.index_cast %add3A_230 : i32 to index
      %get3A_232 = tpu.vector_load %arg9[%get3A_231] {strides = array<i32>} : memref<8192xf32, #tpu.memory_space<vmem>>, vector<16xf32>,
      %get3A_233 = vector.shape_cast %get3A_232 : vector<16xf32> to vector<16xf32>
      %add3A_234 = arith.addf %scan3A_178, %get3A_233 : vector<16xf32>
      %mul3A_235 = arith.constant 128 : i32
      %mul3A_236 = arith.muli %scan3A_171, %mul3A_235 : i32
      %add3A_237 = arith.constant 112 : i32
      %add3A_238 = arith.addi %mul3A_236, %add3A_237 : i32
      %get3A_239 = arith.index_cast %add3A_238 : i32 to index
      %get3A_240 = tpu.vector_load %arg9[%get3A_239] {strides = array<i32>} : memref<8192xf32, #tpu.memory_space<vmem>>, vector<16xf32>,
      %get3A_241 = vector.shape_cast %get3A_240 : vector<16xf32> to vector<16xf32>
      %add3A_242 = arith.addf %scan3A_179, %get3A_241 : vector<16xf32>
      scf.yield %add3A_186, %add3A_194, %add3A_202, %add3A_210, %add3A_218, %add3A_226, %add3A_234, %add3A_242 : vector<16xf32>, vector<16xf32>, vector<16xf32>, vector<16xf32>, vector<16xf32>, vector<16xf32>, vector<16xf32>, vector<16xf32>
    }
    %scan3A_62 = arith.constant 64 : i32
    %gt3A = arith.constant 0.000000e+00 : f32
    %gt3A_63 = vector.broadcast %gt3A : f32 to vector<16xf32>
    %gt3A_64 = arith.cmpf ogt, %scan3A_61#0, %gt3A_63 : vector<16xf32>
    %broadcast_in_dim3A_65 = arith.constant 1.000000e+00 : f32
    %broadcast_in_dim3A_66 = vector.broadcast %broadcast_in_dim3A_65 : f32 to vector<16xf32>
    %select_n3A = arith.select %gt3A_64, %scan3A_61#0, %broadcast_in_dim3A_66 : vector<16xi1>, vector<16xf32>
    %div3A = arith.divf %scan3A_33#0, %select_n3A : vector<16xf32>
    %broadcast_in_dim3A_67 = arith.constant 0.000000e+00 : f32
    %broadcast_in_dim3A_68 = vector.broadcast %broadcast_in_dim3A_67 : f32 to vector<16xf32>
    %select_n3A_69 = arith.select %gt3A_64, %div3A, %broadcast_in_dim3A_68 : vector<16xi1>, vector<16xf32>
    %swap3A = arith.constant 0 : index
    %swap3A_70 = tpu.vector_load %arg10[%swap3A] {strides = array<i32>} : memref<128xf32, #tpu.memory_space<vmem>>, vector<16xf32>,
    %swap3A_71 = vector.shape_cast %swap3A_70 : vector<16xf32> to vector<16xf32>
    %swap3A_72 = vector.shape_cast %select_n3A_69 : vector<16xf32> to vector<16xf32>
    tpu.vector_store %arg10[%swap3A], %swap3A_72 {strides = array<i32>} : memref<128xf32, #tpu.memory_space<vmem>>, vector<16xf32>,
    %gt3A_73 = arith.constant 0.000000e+00 : f32
    %gt3A_74 = vector.broadcast %gt3A_73 : f32 to vector<16xf32>
    %gt3A_75 = arith.cmpf ogt, %scan3A_61#1, %gt3A_74 : vector<16xf32>
    %broadcast_in_dim3A_76 = arith.constant 1.000000e+00 : f32
    %broadcast_in_dim3A_77 = vector.broadcast %broadcast_in_dim3A_76 : f32 to vector<16xf32>
    %select_n3A_78 = arith.select %gt3A_75, %scan3A_61#1, %broadcast_in_dim3A_77 : vector<16xi1>, vector<16xf32>
    %div3A_79 = arith.divf %scan3A_33#1, %select_n3A_78 : vector<16xf32>
    %broadcast_in_dim3A_80 = arith.constant 0.000000e+00 : f32
    %broadcast_in_dim3A_81 = vector.broadcast %broadcast_in_dim3A_80 : f32 to vector<16xf32>
    %select_n3A_82 = arith.select %gt3A_75, %div3A_79, %broadcast_in_dim3A_81 : vector<16xi1>, vector<16xf32>
    %swap3A_83 = arith.constant 16 : index
    %swap3A_84 = tpu.vector_load %arg10[%swap3A_83] {strides = array<i32>} : memref<128xf32, #tpu.memory_space<vmem>>, vector<16xf32>,
    %swap3A_85 = vector.shape_cast %swap3A_84 : vector<16xf32> to vector<16xf32>
    %swap3A_86 = vector.shape_cast %select_n3A_82 : vector<16xf32> to vector<16xf32>
    tpu.vector_store %arg10[%swap3A_83], %swap3A_86 {strides = array<i32>} : memref<128xf32, #tpu.memory_space<vmem>>, vector<16xf32>,
    %gt3A_87 = arith.constant 0.000000e+00 : f32
    %gt3A_88 = vector.broadcast %gt3A_87 : f32 to vector<16xf32>
    %gt3A_89 = arith.cmpf ogt, %scan3A_61#2, %gt3A_88 : vector<16xf32>
    %broadcast_in_dim3A_90 = arith.constant 1.000000e+00 : f32
    %broadcast_in_dim3A_91 = vector.broadcast %broadcast_in_dim3A_90 : f32 to vector<16xf32>
    %select_n3A_92 = arith.select %gt3A_89, %scan3A_61#2, %broadcast_in_dim3A_91 : vector<16xi1>, vector<16xf32>
    %div3A_93 = arith.divf %scan3A_33#2, %select_n3A_92 : vector<16xf32>
    %broadcast_in_dim3A_94 = arith.constant 0.000000e+00 : f32
    %broadcast_in_dim3A_95 = vector.broadcast %broadcast_in_dim3A_94 : f32 to vector<16xf32>
    %select_n3A_96 = arith.select %gt3A_89, %div3A_93, %broadcast_in_dim3A_95 : vector<16xi1>, vector<16xf32>
    %swap3A_97 = arith.constant 32 : index
    %swap3A_98 = tpu.vector_load %arg10[%swap3A_97] {strides = array<i32>} : memref<128xf32, #tpu.memory_space<vmem>>, vector<16xf32>,
    %swap3A_99 = vector.shape_cast %swap3A_98 : vector<16xf32> to vector<16xf32>
    %swap3A_100 = vector.shape_cast %select_n3A_96 : vector<16xf32> to vector<16xf32>
    tpu.vector_store %arg10[%swap3A_97], %swap3A_100 {strides = array<i32>} : memref<128xf32, #tpu.memory_space<vmem>>, vector<16xf32>,
    %gt3A_101 = arith.constant 0.000000e+00 : f32
    %gt3A_102 = vector.broadcast %gt3A_101 : f32 to vector<16xf32>
    %gt3A_103 = arith.cmpf ogt, %scan3A_61#3, %gt3A_102 : vector<16xf32>
    %broadcast_in_dim3A_104 = arith.constant 1.000000e+00 : f32
    %broadcast_in_dim3A_105 = vector.broadcast %broadcast_in_dim3A_104 : f32 to vector<16xf32>
    %select_n3A_106 = arith.select %gt3A_103, %scan3A_61#3, %broadcast_in_dim3A_105 : vector<16xi1>, vector<16xf32>
    %div3A_107 = arith.divf %scan3A_33#3, %select_n3A_106 : vector<16xf32>
    %broadcast_in_dim3A_108 = arith.constant 0.000000e+00 : f32
    %broadcast_in_dim3A_109 = vector.broadcast %broadcast_in_dim3A_108 : f32 to vector<16xf32>
    %select_n3A_110 = arith.select %gt3A_103, %div3A_107, %broadcast_in_dim3A_109 : vector<16xi1>, vector<16xf32>
    %swap3A_111 = arith.constant 48 : index
    %swap3A_112 = tpu.vector_load %arg10[%swap3A_111] {strides = array<i32>} : memref<128xf32, #tpu.memory_space<vmem>>, vector<16xf32>,
    %swap3A_113 = vector.shape_cast %swap3A_112 : vector<16xf32> to vector<16xf32>
    %swap3A_114 = vector.shape_cast %select_n3A_110 : vector<16xf32> to vector<16xf32>
    tpu.vector_store %arg10[%swap3A_111], %swap3A_114 {strides = array<i32>} : memref<128xf32, #tpu.memory_space<vmem>>, vector<16xf32>,
    %gt3A_115 = arith.constant 0.000000e+00 : f32
    %gt3A_116 = vector.broadcast %gt3A_115 : f32 to vector<16xf32>
    %gt3A_117 = arith.cmpf ogt, %scan3A_61#4, %gt3A_116 : vector<16xf32>
    %broadcast_in_dim3A_118 = arith.constant 1.000000e+00 : f32
    %broadcast_in_dim3A_119 = vector.broadcast %broadcast_in_dim3A_118 : f32 to vector<16xf32>
    %select_n3A_120 = arith.select %gt3A_117, %scan3A_61#4, %broadcast_in_dim3A_119 : vector<16xi1>, vector<16xf32>
    %div3A_121 = arith.divf %scan3A_33#4, %select_n3A_120 : vector<16xf32>
    %broadcast_in_dim3A_122 = arith.constant 0.000000e+00 : f32
    %broadcast_in_dim3A_123 = vector.broadcast %broadcast_in_dim3A_122 : f32 to vector<16xf32>
    %select_n3A_124 = arith.select %gt3A_117, %div3A_121, %broadcast_in_dim3A_123 : vector<16xi1>, vector<16xf32>
    %swap3A_125 = arith.constant 64 : index
    %swap3A_126 = tpu.vector_load %arg10[%swap3A_125] {strides = array<i32>} : memref<128xf32, #tpu.memory_space<vmem>>, vector<16xf32>,
    %swap3A_127 = vector.shape_cast %swap3A_126 : vector<16xf32> to vector<16xf32>
    %swap3A_128 = vector.shape_cast %select_n3A_124 : vector<16xf32> to vector<16xf32>
    tpu.vector_store %arg10[%swap3A_125], %swap3A_128 {strides = array<i32>} : memref<128xf32, #tpu.memory_space<vmem>>, vector<16xf32>,
    %gt3A_129 = arith.constant 0.000000e+00 : f32
    %gt3A_130 = vector.broadcast %gt3A_129 : f32 to vector<16xf32>
    %gt3A_131 = arith.cmpf ogt, %scan3A_61#5, %gt3A_130 : vector<16xf32>
    %broadcast_in_dim3A_132 = arith.constant 1.000000e+00 : f32
    %broadcast_in_dim3A_133 = vector.broadcast %broadcast_in_dim3A_132 : f32 to vector<16xf32>
    %select_n3A_134 = arith.select %gt3A_131, %scan3A_61#5, %broadcast_in_dim3A_133 : vector<16xi1>, vector<16xf32>
    %div3A_135 = arith.divf %scan3A_33#5, %select_n3A_134 : vector<16xf32>
    %broadcast_in_dim3A_136 = arith.constant 0.000000e+00 : f32
    %broadcast_in_dim3A_137 = vector.broadcast %broadcast_in_dim3A_136 : f32 to vector<16xf32>
    %select_n3A_138 = arith.select %gt3A_131, %div3A_135, %broadcast_in_dim3A_137 : vector<16xi1>, vector<16xf32>
    %swap3A_139 = arith.constant 80 : index
    %swap3A_140 = tpu.vector_load %arg10[%swap3A_139] {strides = array<i32>} : memref<128xf32, #tpu.memory_space<vmem>>, vector<16xf32>,
    %swap3A_141 = vector.shape_cast %swap3A_140 : vector<16xf32> to vector<16xf32>
    %swap3A_142 = vector.shape_cast %select_n3A_138 : vector<16xf32> to vector<16xf32>
    tpu.vector_store %arg10[%swap3A_139], %swap3A_142 {strides = array<i32>} : memref<128xf32, #tpu.memory_space<vmem>>, vector<16xf32>,
    %gt3A_143 = arith.constant 0.000000e+00 : f32
    %gt3A_144 = vector.broadcast %gt3A_143 : f32 to vector<16xf32>
    %gt3A_145 = arith.cmpf ogt, %scan3A_61#6, %gt3A_144 : vector<16xf32>
    %broadcast_in_dim3A_146 = arith.constant 1.000000e+00 : f32
    %broadcast_in_dim3A_147 = vector.broadcast %broadcast_in_dim3A_146 : f32 to vector<16xf32>
    %select_n3A_148 = arith.select %gt3A_145, %scan3A_61#6, %broadcast_in_dim3A_147 : vector<16xi1>, vector<16xf32>
    %div3A_149 = arith.divf %scan3A_33#6, %select_n3A_148 : vector<16xf32>
    %broadcast_in_dim3A_150 = arith.constant 0.000000e+00 : f32
    %broadcast_in_dim3A_151 = vector.broadcast %broadcast_in_dim3A_150 : f32 to vector<16xf32>
    %select_n3A_152 = arith.select %gt3A_145, %div3A_149, %broadcast_in_dim3A_151 : vector<16xi1>, vector<16xf32>
    %swap3A_153 = arith.constant 96 : index
    %swap3A_154 = tpu.vector_load %arg10[%swap3A_153] {strides = array<i32>} : memref<128xf32, #tpu.memory_space<vmem>>, vector<16xf32>,
    %swap3A_155 = vector.shape_cast %swap3A_154 : vector<16xf32> to vector<16xf32>
    %swap3A_156 = vector.shape_cast %select_n3A_152 : vector<16xf32> to vector<16xf32>
    tpu.vector_store %arg10[%swap3A_153], %swap3A_156 {strides = array<i32>} : memref<128xf32, #tpu.memory_space<vmem>>, vector<16xf32>,
    %gt3A_157 = arith.constant 0.000000e+00 : f32
    %gt3A_158 = vector.broadcast %gt3A_157 : f32 to vector<16xf32>
    %gt3A_159 = arith.cmpf ogt, %scan3A_61#7, %gt3A_158 : vector<16xf32>
    %broadcast_in_dim3A_160 = arith.constant 1.000000e+00 : f32
    %broadcast_in_dim3A_161 = vector.broadcast %broadcast_in_dim3A_160 : f32 to vector<16xf32>
    %select_n3A_162 = arith.select %gt3A_159, %scan3A_61#7, %broadcast_in_dim3A_161 : vector<16xi1>, vector<16xf32>
    %div3A_163 = arith.divf %scan3A_33#7, %select_n3A_162 : vector<16xf32>
    %broadcast_in_dim3A_164 = arith.constant 0.000000e+00 : f32
    %broadcast_in_dim3A_165 = vector.broadcast %broadcast_in_dim3A_164 : f32 to vector<16xf32>
    %select_n3A_166 = arith.select %gt3A_159, %div3A_163, %broadcast_in_dim3A_165 : vector<16xi1>, vector<16xf32>
    %swap3A_167 = arith.constant 112 : index
    %swap3A_168 = tpu.vector_load %arg10[%swap3A_167] {strides = array<i32>} : memref<128xf32, #tpu.memory_space<vmem>>, vector<16xf32>,
    %swap3A_169 = vector.shape_cast %swap3A_168 : vector<16xf32> to vector<16xf32>
    %swap3A_170 = vector.shape_cast %select_n3A_166 : vector<16xf32> to vector<16xf32>
    tpu.vector_store %arg10[%swap3A_167], %swap3A_170 {strides = array<i32>} : memref<128xf32, #tpu.memory_space<vmem>>, vector<16xf32>,
    "tpu.region"() ({
      %run_scoped3A = tpu.sem_alloc : memref<!tpu.dma_semaphore, #tpu.memory_space<semaphore_mem>>
      %dma_start3A = tpu.memref_slice %arg5[%mul3A_2] : memref<4096xf32, #tpu.memory_space<hbm>> -> memref<128xf32, #tpu.memory_space<hbm>>
      %dma_start3A_171 = tpu.memref_slice %arg5[%mul3A_2] : memref<4096xf32, #tpu.memory_space<hbm>> -> memref<128xf32, #tpu.memory_space<hbm>>
      tpu.enqueue_dma source(%arg10 : memref<128xf32, #tpu.memory_space<vmem>>) target(%dma_start3A_171 : memref<128xf32, #tpu.memory_space<hbm>>) target_semaphore(%run_scoped3A : memref<!tpu.dma_semaphore, #tpu.memory_space<semaphore_mem>>)
      %dma_wait3A = tpu.memref_slice %arg5[%mul3A_2] : memref<4096xf32, #tpu.memory_space<hbm>> -> memref<128xf32, #tpu.memory_space<hbm>>
      %dma_wait3A_172 = tpu.memref_slice %arg5[%mul3A_2] : memref<4096xf32, #tpu.memory_space<hbm>> -> memref<128xf32, #tpu.memory_space<hbm>>
      tpu.wait_dma2 semaphore(%run_scoped3A : memref<!tpu.dma_semaphore, #tpu.memory_space<semaphore_mem>>) src(%arg10 : memref<128xf32, #tpu.memory_space<vmem>>) dst(%dma_wait3A_172 : memref<128xf32, #tpu.memory_space<hbm>>)
      tpu.yield
    }) : () -> ()
    return
  }
}

</mosaic_0001>

<sc_bundles>
// kernel: kernel.3.cloned.1.call-start
scs
__scs_entry_jumppad:
0x0: {  	(pc) =	sbr.rel $0x88, $3  }
0x1: {  	(tag) =	ssettag $0x0;
	lr =	simm.s32 $0x1  }
0x2: {  	[smem:$0x3F9E] =	sst lr;
	_ =	strace $0xD0000000  }
0x3: {  	_ = 	snop  }
0x4: {  	_ = 	snop  }
0x5: {  	_ = 	snop  }
0x6: {  	_ = 	snop  }
0x7: {  	_ = 	snop  }
__scs_overlays_trampoline_lowered:
0x8: {  	[smem:$0x3FAD] =	sst s0  }
0x9: {  	[smem:$0x3FAE] =	sst s1  }
0xa: {  	[smem:$0x3FAF] =	sst s2  }
0xb: {  	[smem:$0x3FB0] =	sst s3  }
0xc: {  	[smem:$0x3FB1] =	sst s4  }
0xd: {  	[smem:$0x3FB2] =	sst s5  }
0xe: {  	[smem:$0x3FB3] =	sst s6  }
0xf: {  	[smem:$0x3FB4] =	sst s7  }
0x10: {  	[smem:$0x3FB5] =	sst s8  }
0x11: {  	[smem:$0x3FB6] =	sst s9;
	s0 =	simm.s32 @!p0 $0x0  }
0x12: {  	s1 =	sld [smem:$0x3F9C];
	s0 =	simm.s32 @p0 $0x1  }
0x13: {  	[smem:$0x3FB7] =	sst s0;
	s0 =	simm.s32 @!p1 $0x0  }
0x14: {  	s2 =	sld [smem:$0x3F9B];
	s0 =	simm.s32 @p1 $0x1  }
0x15: {  	[smem:$0x3FB8] =	sst s0;
	s0 =	simm.s32 @!p2 $0x0  }
0x16: {  	s3 =	sld [smem:$0x3FDB];
	s0 =	simm.s32 @p2 $0x1  }
0x17: {  	s4 =	simm.s32 $0x1BF5;
	[smem:$0x3FBA] =	sst s0  }
0x18: {  	s0 =	sld [smem:$0x3F9D];
	_ =	swait.ge [sflag:s4], $0x0  }
0x19: {  	s7 =	sld [smem:$0x3F9E]  }
0x1a: {  	s8 =	sadd.s32 $0xFFFFE003, lr  }
0x1b: {  	s9 =	sadd.s32 $0xFFFFFEF7, lr;
	s5 =	simm.s32 $0xFFFFFFFF;
	p2 =	slt.u32 s8, $0xFFFFF086  }
0x1c: {  	p1 =	slt.u32 s9, $0xF7A;
	s5 =	simm.s32 @!p2 $0x0  }
0x1d: {  	s5 =	simm.s32 @p1 $0x1;
	p0 =	seq.s32 s7, s2  }
0x1e: {  	s7 =	smul.u32 @!p0 $0xF7A, s2;
	p2 =	seq.s32 @!p0 s5, $0x0  }
0x1f: {  	s9 =	smul.u32 $0xF7A, s1;
	s8 =	simm.s32 @!p0 $0x1BF5;
	p2 =	por !p2, p0  }
0x20: {  	[sflag:s8] =	ssyncset.s32 @!p0 $0xFFFFF086;
	s6 =	sadd.s32 @!p0 s3, s7;
	s7 =	simm.s32 @!p0 $0x108  }
0x21: {  	s3 =	sadd.s32 s3, s9;
	s6 =	sadd.s32 @!p0 $0x88, s6;
	s7 =	simm.s32 @p2 $0x1082  }
0x22: {  	[simem:s7], [sflag:s8] =	dma.local @!p0 [hbm:s6], $0xF7A  }
0x23: {  	s9 =	sor.u32 $0xD0000000, s2;
	s6 =	simm.s32 $0x108;
	_ =	swait.ge @!p0 [sflag:s8], $0x0  }
0x24: {  	s3 =	sadd.s32 $0x88, s3;
	s6 =	simm.s32 @!p1 $0x1082;
	[sflag:s4] =	ssyncset.s32 $0xFFFFF086  }
0x25: {  	[simem:s6], [sflag:s4] =	dma.local [hbm:s3], $0xF7A  }
0x26: {  	[smem:$0x3F9E] =	sst s1;
	(tag) =	ssettag s2;
	_ =	strace s9  }
0x27: {  	s1 =	sld [smem:$0x3FAE]  }
0x28: {  	s2 =	sld [smem:$0x3FAF]  }
0x29: {  	s4 =	sld [smem:$0x3FB1]  }
0x2a: {  	p0 =	seq.s32 s5, $0x0;
	s5 =	sld [smem:$0x3FB2]  }
0x2b: {  	s6 =	sld [smem:$0x3FB3]  }
0x2c: {  	s7 =	sld [smem:$0x3FB4]  }
0x2d: {  	s3 =	simm.s32 $0x108;
	s8 =	sld [smem:$0x3FB5]  }
0x2e: {  	s3 =	simm.s32 @!p0 $0x1082;
	s9 =	sld [smem:$0x3FB6]  }
0x2f: {  	lr =	sadd.s32 s0, s3;
	s0 =	sld [smem:$0x3FAD]  }
0x30: {  	s3 =	sld [smem:$0x3FB0]  }
0x31: {  	[smem:$0x3FB9] =	sst s10  }
0x32: {  	s10 =	sld [smem:$0x3FB7];
	_ =	sdelay $0x3  }
0x33: {  	p0 =	seq.s32 s10, $0x1;
	s10 =	sld [smem:$0x3FB9];
	_ =	sdelay $0x3  }
0x34: {  	[smem:$0x3FB9] =	sst s10  }
0x35: {  	s10 =	sld [smem:$0x3FB8];
	_ =	sdelay $0x3  }
0x36: {  	p1 =	seq.s32 s10, $0x1;
	s10 =	sld [smem:$0x3FB9];
	_ =	sdelay $0x3  }
0x37: {  	[smem:$0x3FB9] =	sst s10  }
0x38: {  	s10 =	sld [smem:$0x3FBA]  }
0x39: {  	_ = 	snop;
	(pc) =	sbr.ind lr, $3  }
0x3a: {  	_ = 	snop  }
0x3b: {  	_ = 	snop  }
0x3c: {  	p2 =	seq.s32 s10, $0x1;
	s10 =	sld [smem:$0x3FB9]  }
0x3d: {  	_ =	shalt  }
0x3e: {  	_ =	shalt  }
0x3f: {  	_ =	shalt  }
0x40: {  	_ =	shalt  }
0x41: {  	_ =	shalt  }
0x42: {  	_ =	shalt  }
0x43: {  	_ =	shalt  }
0x44: {  	_ =	shalt  }
0x45: {  	_ =	shalt  }
0x46: {  	_ =	shalt  }
0x47: {  	_ =	shalt  }
0x48: {  	_ =	shalt  }
0x49: {  	_ =	shalt  }
0x4a: {  	_ =	shalt  }
0x4b: {  	_ =	shalt  }
0x4c: {  	_ =	shalt  }
0x4d: {  	_ =	shalt  }
0x4e: {  	_ =	shalt  }
0x4f: {  	_ =	shalt  }
0x50: {  	_ =	shalt  }
0x51: {  	_ =	shalt  }
0x52: {  	_ =	shalt  }
0x53: {  	_ =	shalt  }
0x54: {  	_ =	shalt  }
0x55: {  	_ =	shalt  }
0x56: {  	_ =	shalt  }
0x57: {  	_ =	shalt  }
0x58: {  	_ =	shalt  }
0x59: {  	_ =	shalt  }
0x5a: {  	_ =	shalt  }
0x5b: {  	_ =	shalt  }
0x5c: {  	_ =	shalt  }
0x5d: {  	_ =	shalt  }
0x5e: {  	_ =	shalt  }
0x5f: {  	_ =	shalt  }
0x60: {  	_ =	shalt  }
0x61: {  	_ =	shalt  }
0x62: {  	_ =	shalt  }
0x63: {  	_ =	shalt  }
0x64: {  	_ =	shalt  }
0x65: {  	_ =	shalt  }
0x66: {  	_ =	shalt  }
0x67: {  	_ =	shalt  }
0x68: {  	_ =	shalt  }
0x69: {  	_ =	shalt  }
0x6a: {  	_ =	shalt  }
0x6b: {  	_ =	shalt  }
0x6c: {  	_ =	shalt  }
0x6d: {  	_ =	shalt  }
0x6e: {  	_ =	shalt  }
0x6f: {  	_ =	shalt  }
0x70: {  	_ =	shalt  }
0x71: {  	_ =	shalt  }
0x72: {  	_ =	shalt  }
0x73: {  	_ =	shalt  }
0x74: {  	_ =	shalt  }
0x75: {  	_ =	shalt  }
0x76: {  	_ =	shalt  }
0x77: {  	_ =	shalt  }
0x78: {  	_ =	shalt  }
0x79: {  	_ =	shalt  }
0x7a: {  	_ =	shalt  }
0x7b: {  	_ =	shalt  }
0x7c: {  	_ =	shalt  }
0x7d: {  	_ =	shalt  }
0x7e: {  	_ =	shalt  }
0x7f: {  	_ =	shalt  }
0x80: {  	_ =	shalt  }
0x81: {  	_ =	shalt  }
0x82: {  	_ =	shalt  }
0x83: {  	_ =	shalt  }
0x84: {  	_ =	shalt  }
0x85: {  	_ =	shalt  }
0x86: {  	_ =	shalt  }
0x87: {  	_ =	shalt  }
.Lfunc_end0:
.L_simem_size_0:
called_computation_lowered:
.L_overlay_start_0:
0x88: {  	s2 =	sld [smem:$0x3FD9]  }
0x89: {  	s3 =	sld [smem:$0x3FFE];
	_ =	sdelay $0x1  }
0x8a: {  	s1 =	srdreg.scid  }
0x8b: {  	s0 =	sand.u32 $0x1, s1  }
0x8c: {  	s18 =	sshll.u32 s0, $0xA;
	s2 =	sadd.s32 s3, s2  }
0x8d: {  	s2 =	sadd.s32 s2, s18  }
0x8e: {  	[smem:$0x3FC5] =	sst s2  }
0x8f: {  	_ = 	snop  }
0x90: {  	s2 =	sld [smem:$0x3FC9]  }
0x91: {  	s19 =	sld [smem:$0x3FC8]  }
0x92: {  	s4 =	sld [smem:$0x3FC7]  }
0x93: {  	s5 =	sld [smem:$0x3FD0];
	(tm) =	ssettm $0x1  }
0x94: {  	s6 =	sld [smem:$0x3FFB];
	_ =	sdelay $0x3  }
0x95: {  	_ =	strace s6  }
0x96: {  	s6 =	sld [smem:$0x3FFC];
	_ =	sdelay $0x3  }
0x97: {  	_ =	strace s6  }
0x98: {  	s6 =	sld [smem:$0x3FFD];
	_ =	sdelay $0x3  }
0x99: {  	_ =	strace s6  }
0x9a: {  	_ =	strace $0x8FFFFFFF  }
0x9b: {  	s20 =	sld [smem:$0x3FDB];
	_ =	sdelay $0x1  }
0x9c: {  	s7 =	simm.s32 $_scs_section_size  }
0x9d: {  	s8 =	simm.s32 $_size__tile_overlayer_lowered;
	s9 =	simm.s32 $_tile_overlayer_lowered  }
0x9e: {  	s23 =	simm.s32 $0x1BFF;
	s22 =	sshll.u32 s9, $0x1;
	s6 =	sadd.s32 s7, s20  }
0x9f: {  	s10 =	simm.s32 $0x0;
	s21 =	sshll.u32 s8, $0x1;
	s8 =	sadd.s32 s22, s6  }
0xa0: {  	[timem:s10], [sflag:s23] =	dma.local [hbm:s8], s21  }
0xa1: {  	_ =	swait.ge [sflag:s23], s21  }
0xa2: {  	s7 =	ssub.s32 $0x0, s21;
	[sflag:s23] =	ssyncset.done $0x0  }
0xa3: {  	[sflag:s23] =	ssyncadd.s32 s7;
	_ =	sdelay $0x1  }
0xa4: {  	s24 =	simm.s32 $0x1B8B  }
0xa5: {  	_ =	swait.ge [sflag:s24], $0x1  }
0xa6: {  	[sflag:s24] =	ssyncset.done $0x0  }
0xa7: {  	s25 =	simm.s32 $0x1B8E;
	[sflag:s24] =	ssyncadd.s32 $0xFFFFFFFF  }
0xa8: {  	s26 =	simm.s32 $execute0_lowered;
	[smem:$0x3FD2] =	sst s25  }
0xa9: {  	s7 =	sshll.u32 s26, $0x1;
	_ =	strace $0x80000046;
	[dreg:$0x1] =	wrdreg $0xFFFFFFFF  }
0xaa: {  	s28 =	simm.s32 $_size_execute0_lowered;
	s6 =	sadd.s32 s6, s7;
	[dreg:$0x0] =	wrdreg $0x0  }
0xab: {  	s7 =	sshll.u32 s28, $0x1;
	[dreg:$0x2] =	wrdreg s6  }
0xac: {  	[dreg:$0x3] =	wrdreg s7  }
0xad: {  	[dreg:$0x4] =	wrdreg $0xC0  }
0xae: {  	_ =	task [dreg:s10], $0x5FFFF  }
0xaf: {  	[dreg:$0x1] =	wrdreg $0xFFFFFFFF  }
0xb0: {  	[dreg:$0x0] =	wrdreg $0x60  }
0xb1: {  	[dreg:$0x2] =	wrdreg s2  }
0xb2: {  	[dreg:$0x3] =	wrdreg s19  }
0xb3: {  	[dreg:$0x4] =	wrdreg s4  }
0xb4: {  	[dreg:$0x5] =	wrdreg s5  }
0xb5: {  	[dreg:$0x6] =	wrdreg $0x9  }
0xb6: {  	_ =	task.clear_ibuf [dreg:s10], $0x7FFFF;
	_ =	strace $0x90000046  }
0xb7: {  	s29 =	simm.s32 $0x9;
	_ =	strace $0x80000048  }
0xb8: {  	_ =	swait.ge [sflag:s29], $0x1  }
0xb9: {  	[sflag:s29] =	ssyncadd.s32 $0xFFFFFFFF  }
0xba: {  	_ =	strace $0x90000048  }
0xbb: {  	_ =	sfence  }
0xbc: {  	s30 =	sld [smem:$0x0];
	_ =	sdelay $0x2  }
0xbd: {  	s31 =	sshll.u32 s1, $0xD;
	s1 =	sshrl.u32 s1, $0x2  }
0xbe: {  	s3 =	sand.u32 $0x4000, s31;
	s1 =	sadd.s32 s1, s30  }
0xbf: {  	s0 =	sor.u32 s3, s0;
	s1 =	sshll.u32 s1, $0x11  }
0xc0: {  	s0 =	sor.u32 s1, s0  }
0xc1: {  	s0 =	sadd.s32 $0x8F2B, s0  }
0xc2: {  	[sflag:s0] =	ssyncadd.remote.s32 $0x1  }
0xc3: {  	_ =	sfence.sel $0xFFFF  }
0xc4: {  	[dreg:$0x0] =	wrdreg $0xFFFFFFFF;
	(pc) =	sbr.abs _section_cstart, $3  }
0xc5: {  	[dreg:$0x1] =	wrdreg $0xFFFFFFFF  }
0xc6: {  	_ =	task.clear_ibuf [dreg:s10], $0x2FFFF;
	_ =	strace $0x9FFFFFFF  }
0xc7: {  	(tm) =	ssettm $0x7FFFFFFF  }
tec
execute0_lowered:
.L_overlay_start_1:
0x0: {  	(tag) =	ssettag $0x1  }
0x1: {  	s5 =	rddreg [dreg:$0x0]  }
0x2: {  	s1 =	rddreg [dreg:$0x1]  }
0x3: {  	s3 =	rddreg [dreg:$0x2]  }
0x4: {  	s6 =	rddreg [dreg:$0x3]  }
0x5: {  	s0 =	rddreg [dreg:$0x4]  }
0x6: {  	s7 =	srdreg.scid;
	s2 =	stileid.u32  }
0x7: {  	s4 =	simm.s32 $0x0;
	s11 =	simm.s32 $0x200;
	s12 =	simm.s32 $0x1  }
0x8: {  	s13 =	simm.s32 $0x2;
	s14 =	simm.s32 $0x0;
	s7 =	sand.u32 $0x1, s7  }
0x9: {  	s8 =	sshll.u32 s2, $0x1;
	[smem:$0x7FF] =	sst s4;
	s9 =	ssub.s32 $0x2, s7  }
0xa: {  	s7 =	sor.u32 s7, s8;
	_ =	strace $0x80000047;
	s31 =	sshrl.u32 s9, $0x1  }
0xb: {  	s10 =	sshll.u32 s7, $0x7;
	s7 =	sshll.u32 s7, $0x4;
	s8 =	ssub.s32 s9, s31  }
0xc: {  	s5 =	sadd.s32 s5, s10;
	s6 =	sadd.s32 s6, s7;
	s9 =	simm.s32 $0x8000  }
0xd: {  	s10 =	simm.s32 $0x3;
	s7 =	smax.u32 s8, $0x1;
	s8 =	simm.s32 $0x400  }
.LBB2_1:
0xe: {  	[tilespmem:s4], [sflag:$0x3] =	stream.strided.gather [hbm4b:s5+s8], $0x2000, s9, s8, $0x38;
	[tilespmem:$0x8080] =	vst v63  }
0xf: {  	_ =	swait.ge [sflag:s10], $0x2000  }
0x10: {  	[sflag:s10] =	ssyncset.done $0x0  }
0x11: {  	s15 =	simm.s32 $0x0;
	[sflag:s10] =	ssyncadd.s32 $0xFFFFE000  }
0x12: {  	v0 =	vld [tilespmem:s15+$0x0]  }
0x13: {  	v1 =	vld [tilespmem:s15+$0x10]  }
0x14: {  	v3 =	vld [tilespmem:s15+$0x30]  }
0x15: {  	v4 =	vld [tilespmem:s15+$0x40]  }
0x16: {  	v6 =	vld [tilespmem:s15+$0x60];
	_ =	sdelay $0x2  }
0x17: {  	v2 =	vld [tilespmem:s15+$0x20];
	v7 =	vshll.u32 v0, $0x3;
	v0 =	vand.u32 $0x7F, v0;
	v10 =	vshll.u32 v1, $0x3  }
0x18: {  	s16 =	sand.u32 $0x380000, s4;
	s17 =	sand.u32 $0x200, s4;
	v8 =	vld [tilespmem:s15+$0x70];
	v1 =	vand.u32 $0x7F, v1;
	v13 =	vshll.u32 v3, $0x3;
	v3 =	vand.u32 $0x7F, v3  }
0x19: {  	s17 =	sor.u32 s17, s16;
	v15 =	vshll.u32 v4, $0x3;
	v4 =	vand.u32 $0x7F, v4;
	v18 =	vshll.u32 v6, $0x3  }
0x1a: {  	v6 =	vand.u32 $0x7F, v6;
	v7 =	vand.u32 $0xFFFFFC00, v7;
	v0 =	vor.u32 s17, v0  }
0x1b: {  	v5 =	vld [tilespmem:s15+$0x50];
	v1 =	vor.u32 s17, v1;
	v0 =	vadd.s32 v7, v0;
	v7 =	vand.u32 $0xFFFFFC00, v10  }
0x1c: {  	v1 =	vadd.s32 v7, v1;
	v7 =	vshll.u32 v2, $0x3;
	v2 =	vand.u32 $0x7F, v2  }
0x1d: {  	v56 =	vshll.u32 v8, $0x3;
	v7 =	vand.u32 $0xFFFFFC00, v7;
	v2 =	vor.u32 s17, v2  }
0x1e: {  	v3 =	vor.u32 s17, v3;
	v2 =	vadd.s32 v7, v2;
	v7 =	vand.u32 $0xFFFFFC00, v13  }
0x1f: {  	v9 =	vld [tilespmem:s15+$0x80];
	v4 =	vor.u32 s17, v4;
	v3 =	vadd.s32 v7, v3;
	v7 =	vand.u32 $0xFFFFFC00, v15  }
0x20: {  	v11 =	vld [tilespmem:s15+$0x90];
	v4 =	vadd.s32 v7, v4;
	v7 =	vshll.u32 v5, $0x3;
	v5 =	vand.u32 $0x7F, v5  }
0x21: {  	v8 =	vand.u32 $0x7F, v8;
	v7 =	vand.u32 $0xFFFFFC00, v7;
	v5 =	vor.u32 s17, v5  }
0x22: {  	s18 =	simm.s32 $0x80;
	v6 =	vor.u32 s17, v6;
	v10 =	vld [tilespmem:s15+$0xA0];
	[tilespmem:s15+$0x2000] =	vst v0;
	v0 =	vadd.s32 v7, v5;
	v5 =	vand.u32 $0xFFFFFC00, v18  }
0x23: {  	s26 =	sand.u32 $0x280, s18;
	[tilespmem:s15+$0x2010] =	vst v1;
	v1 =	vadd.s32 v5, v6;
	v5 =	vand.u32 $0xFFFFFC00, v56;
	v6 =	vor.u32 s17, v8  }
0x24: {  	v12 =	vld [tilespmem:s15+$0xB0];
	s17 =	sor.u32 s16, s26;
	v5 =	vadd.s32 v5, v6;
	v6 =	vshll.u32 v9, $0x3;
	v9 =	vand.u32 $0x7F, v9  }
0x25: {  	v54 =	vld [tilespmem:s15+$0xD0];
	[tilespmem:s15+$0x2020] =	vst v2;
	v2 =	vand.u32 $0xFFFFFC00, v6;
	v6 =	vor.u32 s17, v9;
	v9 =	vshll.u32 v11, $0x3  }
0x26: {  	v14 =	vld [tilespmem:s15+$0xC0];
	[tilespmem:s15+$0x2030] =	vst v3;
	v2 =	vadd.s32 v2, v6;
	v3 =	vand.u32 $0xFFFFFC00, v9;
	v6 =	vand.u32 $0x7F, v11  }
0x27: {  	v11 =	vshll.u32 v10, $0x3;
	v10 =	vand.u32 $0x7F, v10;
	v6 =	vor.u32 s17, v6  }
0x28: {  	[tilespmem:s15+$0x2040] =	vst v4;
	v4 =	vand.u32 $0xFFFFFC00, v11;
	v3 =	vadd.s32 v3, v6;
	v6 =	vor.u32 s17, v10  }
0x29: {  	v16 =	vld [tilespmem:s15+$0xE0];
	[tilespmem:s15+$0x2050] =	vst v0;
	v0 =	vadd.s32 v4, v6;
	v4 =	vshll.u32 v12, $0x3;
	v6 =	vand.u32 $0x7F, v12  }
0x2a: {  	v55 =	vld [tilespmem:s15+$0xF0];
	v57 =	vshll.u32 v54, $0x3;
	v4 =	vand.u32 $0xFFFFFC00, v4;
	v6 =	vor.u32 s17, v6  }
0x2b: {  	v17 =	vld [tilespmem:s15+$0x100];
	[tilespmem:s15+$0x2060] =	vst v1;
	v11 =	vshll.u32 v14, $0x3;
	v1 =	vadd.s32 v4, v6;
	v6 =	vand.u32 $0x7F, v14  }
0x2c: {  	v13 =	vand.u32 $0x7F, v54;
	v4 =	vand.u32 $0xFFFFFC00, v11;
	v6 =	vor.u32 s17, v6  }
0x2d: {  	[tilespmem:s15+$0x2070] =	vst v5;
	v5 =	vand.u32 $0xFFFFFC00, v57;
	v4 =	vadd.s32 v4, v6;
	v6 =	vor.u32 s17, v13  }
0x2e: {  	v7 =	vld [tilespmem:s15+$0x110];
	[tilespmem:s15+$0x2080] =	vst v2;
	v2 =	vadd.s32 v5, v6;
	v5 =	vshll.u32 v16, $0x3;
	v6 =	vand.u32 $0x7F, v16  }
0x2f: {  	s28 =	simm.s32 $0x100;
	v59 =	vshll.u32 v55, $0x3;
	v8 =	vld [tilespmem:s15+$0x120];
	v5 =	vand.u32 $0xFFFFFC00, v5;
	v6 =	vor.u32 s17, v6  }
0x30: {  	s18 =	sand.u32 $0x300, s28;
	v60 =	vand.u32 $0x7F, v17;
	[tilespmem:s15+$0x2090] =	vst v3;
	v3 =	vadd.s32 v5, v6;
	v6 =	vand.u32 $0x7F, v55  }
0x31: {  	s29 =	sor.u32 s16, s18;
	v9 =	vld [tilespmem:s15+$0x130];
	[tilespmem:s15+$0x20A0] =	vst v0;
	v5 =	vand.u32 $0xFFFFFC00, v59;
	v0 =	vor.u32 s17, v6;
	v6 =	vshll.u32 v17, $0x3  }
0x32: {  	v0 =	vadd.s32 v5, v0;
	v5 =	vand.u32 $0xFFFFFC00, v6;
	v6 =	vor.u32 s29, v60  }
0x33: {  	v10 =	vld [tilespmem:s15+$0x140];
	[tilespmem:s15+$0x20B0] =	vst v1;
	v1 =	vadd.s32 v5, v6;
	v5 =	vshll.u32 v7, $0x3;
	v6 =	vand.u32 $0x7F, v7  }
0x34: {  	v62 =	vshll.u32 v8, $0x3;
	v11 =	vld [tilespmem:s15+$0x150];
	v5 =	vand.u32 $0xFFFFFC00, v5;
	v6 =	vor.u32 s29, v6  }
0x35: {  	[tilespmem:s15+$0x20C0] =	vst v4;
	v4 =	vadd.s32 v5, v6;
	v5 =	vand.u32 $0xFFFFFC00, v62;
	v6 =	vand.u32 $0x7F, v8  }
0x36: {  	v58 =	vld [tilespmem:s15+$0x160];
	[tilespmem:s15+$0x20D0] =	vst v2;
	v8 =	vand.u32 $0x7F, v9;
	v2 =	vor.u32 s29, v6;
	v6 =	vshll.u32 v9, $0x3  }
0x37: {  	v2 =	vadd.s32 v5, v2;
	v5 =	vand.u32 $0xFFFFFC00, v6;
	v6 =	vor.u32 s29, v8  }
0x38: {  	v61 =	vld [tilespmem:s15+$0x170];
	[tilespmem:s15+$0x20E0] =	vst v3;
	v3 =	vadd.s32 v5, v6;
	v5 =	vshll.u32 v10, $0x3;
	v6 =	vand.u32 $0x7F, v10  }
0x39: {  	v7 =	vld [tilespmem:s15+$0x180];
	[tilespmem:s15+$0x20F0] =	vst v0;
	v0 =	vand.u32 $0xFFFFFC00, v5;
	v5 =	vor.u32 s29, v6;
	v6 =	vshll.u32 v11, $0x3  }
0x3a: {  	v5 =	vadd.s32 v0, v5;
	v0 =	vand.u32 $0xFFFFFC00, v6;
	v6 =	vand.u32 $0x7F, v11  }
0x3b: {  	[tilespmem:s15+$0x2100] =	vst v1;
	v9 =	vld [tilespmem:s15+$0x190];
	v10 =	vand.u32 $0x7F, v58;
	v1 =	vor.u32 s29, v6;
	v6 =	vshll.u32 v58, $0x3  }
0x3c: {  	v63 =	vadd.s32 v0, v1;
	v0 =	vand.u32 $0xFFFFFC00, v6;
	v1 =	vor.u32 s29, v10  }
0x3d: {  	s30 =	simm.s32 $0x180;
	[tilespmem:s15+$0x2110] =	vst v4;
	v8 =	vld [tilespmem:s15+$0x1A0];
	v6 =	vadd.s32 v0, v1;
	v0 =	vshll.u32 v61, $0x3;
	v1 =	vand.u32 $0x7F, v61  }
0x3e: {  	s31 =	sand.u32 $0x380, s30;
	[tilespmem:s15+$0x2120] =	vst v2;
	v4 =	vshll.u32 v7, $0x3;
	v11 =	vld [tilespmem:s15+$0x1B0];
	v0 =	vand.u32 $0xFFFFFC00, v0;
	v2 =	vor.u32 s29, v1  }
0x3f: {  	s19 =	sor.u32 s16, s31;
	v0 =	vadd.s32 v0, v2;
	v2 =	vand.u32 $0xFFFFFC00, v4;
	v4 =	vand.u32 $0x7F, v7  }
0x40: {  	[tilespmem:s15+$0x2130] =	vst v3;
	v1 =	vld [tilespmem:s15+$0x1C0];
	v7 =	vshll.u32 v9, $0x3;
	v9 =	vand.u32 $0x7F, v9;
	v3 =	vor.u32 s19, v4  }
0x41: {  	[tilespmem:s15+$0x2140] =	vst v5;
	v5 =	vor.u32 s19, v9;
	v4 =	vadd.s32 v2, v3;
	v2 =	vand.u32 $0xFFFFFC00, v7  }
0x42: {  	v3 =	vld [tilespmem:s15+$0x1D0];
	v7 =	vand.u32 $0x7F, v8;
	v5 =	vadd.s32 v2, v5;
	v2 =	vshll.u32 v8, $0x3  }
0x43: {  	[tilespmem:s15+$0x2150] =	vst v63;
	v9 =	vshll.u32 v11, $0x3;
	v7 =	vor.u32 s19, v7;
	v8 =	vand.u32 $0xFFFFFC00, v2;
	v2 =	vld [tilespmem:s15+$0x1E0]  }
0x44: {  	s18 =	simm.s32 $0x0;
	s16 =	simm.s32 $0x800;
	s17 =	simm.s32 $0x0;
	[tilespmem:s15+$0x2160] =	vst v6;
	v6 =	vadd.s32 v8, v7;
	v7 =	vand.u32 $0xFFFFFC00, v9;
	v8 =	vand.u32 $0x7F, v11  }
.LBB2_2:
0x45: {  	p0 =	sne.s32 s16, $0x7800;
	[tilespmem:s15+$0x2170] =	vst v0;
	v0 =	vor.u32 s19, v8;
	v8 =	vshll.u32 v1, $0x3;
	v1 =	vand.u32 $0x7F, v1;
	v9 =	vld [tilespmem:s15+$0x1F0]  }
0x46: {  	[tilespmem:s15+$0x2180] =	vst v4;
	v0 =	vadd.s32 v7, v0;
	v4 =	vand.u32 $0xFFFFFC00, v8;
	v1 =	vor.u32 s19, v1  }
0x47: {  	[tilespmem:s15+$0x2190] =	vst v5;
	v1 =	vadd.s32 v4, v1;
	v4 =	vshll.u32 v3, $0x3;
	v3 =	vand.u32 $0x7F, v3  }
0x48: {  	[tilespmem:s15+$0x21A0] =	vst v6;
	v4 =	vand.u32 $0xFFFFFC00, v4;
	v3 =	vor.u32 s19, v3;
	v5 =	vshll.u32 v2, $0x3  }
0x49: {  	v2 =	vand.u32 $0x7F, v2;
	[tilespmem:s15+$0x21B0] =	vst v0;
	v0 =	vadd.s32 v4, v3;
	v3 =	vand.u32 $0xFFFFFC00, v5  }
0x4a: {  	[tilespmem:s15+$0x21C0] =	vst v1;
	v1 =	vor.u32 s19, v2;
	v2 =	vshll.u32 v9, $0x3;
	v4 =	vand.u32 $0x7F, v9  }
0x4b: {  	[tilespmem:s15+$0x21D0] =	vst v0;
	v0 =	vadd.s32 v3, v1;
	v1 =	vand.u32 $0xFFFFFC00, v2;
	v2 =	vor.u32 s19, v4  }
0x4c: {  	s20 =	sadd.s32 $0x4000, s15;
	s19 =	sadd.s32 $0x2000, s15;
	[tilespmem:s15+$0x21E0] =	vst v0;
	v0 =	vadd.s32 v1, v2  }
0x4d: {  	[tilespmem:s15+$0x21F0] =	vst v0;
	[tilespmem:s20], [sflag:$0x1] =	stream.indirect.gather [hbm4b:s1+s11], $0x1, s19, s11, $0xb8  }
0x4e: {  	s20 =	sadd.s32 $0x6000, s15;
	s15 =	sshra.s32 s16, $0x2  }
0x4f: {  	[tilespmem:s20], [sflag:$0x2] =	stream.indirect.gather [hbm4b:s3+s11], $0x1, s19, s11, $0xb8;
	[tilespmem:$0x8080] =	vst v63  }
0x50: {  	v0 =	vld [tilespmem:s15+$0x0];
	_ =	sdelay $0x1  }
0x51: {  	v1 =	vld [tilespmem:s15+$0x10];
	_ =	sdelay $0x1  }
0x52: {  	s17 =	sadd.s32 $0x200, s17;
	s18 =	sadd.s32 $0x40000, s18;
	v2 =	vld [tilespmem:s15+$0x20]  }
0x53: {  	s19 =	sand.u32 $0x380000, s18;
	s20 =	sand.u32 $0x200, s17;
	v3 =	vshll.u32 v0, $0x3;
	v4 =	vld [tilespmem:s15+$0x30]  }
0x54: {  	s20 =	sor.u32 s20, s19;
	v0 =	vand.u32 $0x7F, v0;
	v3 =	vand.u32 $0xFFFFFC00, v3  }
0x55: {  	v0 =	vor.u32 s20, v0;
	v5 =	vshll.u32 v1, $0x3;
	v1 =	vand.u32 $0x7F, v1;
	v6 =	vld [tilespmem:s15+$0x40]  }
0x56: {  	v0 =	vadd.s32 v3, v0;
	v3 =	vand.u32 $0xFFFFFC00, v5;
	v1 =	vor.u32 s20, v1  }
0x57: {  	v1 =	vadd.s32 v3, v1;
	v3 =	vshll.u32 v2, $0x3;
	v2 =	vand.u32 $0x7F, v2;
	v5 =	vld [tilespmem:s15+$0x50]  }
0x58: {  	v3 =	vand.u32 $0xFFFFFC00, v3;
	v2 =	vor.u32 s20, v2;
	v7 =	vshll.u32 v4, $0x3;
	v8 =	vld [tilespmem:s15+$0x60]  }
0x59: {  	v4 =	vand.u32 $0x7F, v4;
	v2 =	vadd.s32 v3, v2;
	v3 =	vand.u32 $0xFFFFFC00, v7  }
0x5a: {  	v4 =	vor.u32 s20, v4;
	v7 =	vshll.u32 v6, $0x3;
	v6 =	vand.u32 $0x7F, v6;
	v9 =	vld [tilespmem:s15+$0x70]  }
0x5b: {  	v3 =	vadd.s32 v3, v4;
	v4 =	vand.u32 $0xFFFFFC00, v7;
	v6 =	vor.u32 s20, v6  }
0x5c: {  	v4 =	vadd.s32 v4, v6;
	v6 =	vshll.u32 v5, $0x3;
	v5 =	vand.u32 $0x7F, v5;
	v7 =	vld [tilespmem:s15+$0x80]  }
0x5d: {  	v6 =	vand.u32 $0xFFFFFC00, v6;
	v5 =	vor.u32 s20, v5;
	v10 =	vshll.u32 v8, $0x3;
	v11 =	vld [tilespmem:s15+$0x90]  }
0x5e: {  	v8 =	vand.u32 $0x7F, v8;
	v5 =	vadd.s32 v6, v5;
	v6 =	vand.u32 $0xFFFFFC00, v10  }
0x5f: {  	s21 =	sadd.s32 $0x80, s17;
	v8 =	vor.u32 s20, v8;
	v10 =	vshll.u32 v9, $0x3;
	v9 =	vand.u32 $0x7F, v9;
	v12 =	vld [tilespmem:s15+$0xA0]  }
0x60: {  	v6 =	vadd.s32 v6, v8;
	v8 =	vand.u32 $0xFFFFFC00, v10;
	v9 =	vor.u32 s20, v9;
	s20 =	sand.u32 $0x280, s21  }
0x61: {  	v8 =	vadd.s32 v8, v9;
	s20 =	sor.u32 s19, s20;
	v9 =	vshll.u32 v7, $0x3;
	v7 =	vand.u32 $0x7F, v7;
	v10 =	vld [tilespmem:s15+$0xB0]  }
0x62: {  	v9 =	vand.u32 $0xFFFFFC00, v9;
	v7 =	vor.u32 s20, v7;
	v13 =	vshll.u32 v11, $0x3;
	v14 =	vld [tilespmem:s15+$0xC0]  }
0x63: {  	v11 =	vand.u32 $0x7F, v11;
	v7 =	vadd.s32 v9, v7;
	v9 =	vand.u32 $0xFFFFFC00, v13  }
0x64: {  	v11 =	vor.u32 s20, v11;
	v13 =	vshll.u32 v12, $0x3;
	v12 =	vand.u32 $0x7F, v12;
	v15 =	vld [tilespmem:s15+$0xD0]  }
0x65: {  	v9 =	vadd.s32 v9, v11;
	v11 =	vand.u32 $0xFFFFFC00, v13;
	v12 =	vor.u32 s20, v12  }
0x66: {  	v11 =	vadd.s32 v11, v12;
	v12 =	vshll.u32 v10, $0x3;
	v10 =	vand.u32 $0x7F, v10;
	v13 =	vld [tilespmem:s15+$0xE0]  }
0x67: {  	v12 =	vand.u32 $0xFFFFFC00, v12;
	v10 =	vor.u32 s20, v10;
	v16 =	vshll.u32 v14, $0x3;
	v17 =	vld [tilespmem:s15+$0xF0]  }
0x68: {  	v14 =	vand.u32 $0x7F, v14;
	v10 =	vadd.s32 v12, v10;
	v12 =	vand.u32 $0xFFFFFC00, v16  }
0x69: {  	v14 =	vor.u32 s20, v14;
	v16 =	vshll.u32 v15, $0x3;
	v15 =	vand.u32 $0x7F, v15;
	v18 =	vld [tilespmem:s15+$0x100]  }
0x6a: {  	v12 =	vadd.s32 v12, v14;
	v14 =	vand.u32 $0xFFFFFC00, v16;
	v15 =	vor.u32 s20, v15  }
0x6b: {  	[tilespmem:s15+$0x2000] =	vst v0;
	v0 =	vadd.s32 v14, v15;
	v14 =	vshll.u32 v13, $0x3;
	v13 =	vand.u32 $0x7F, v13;
	v15 =	vld [tilespmem:s15+$0x110]  }
0x6c: {  	s21 =	sadd.s32 $0x100, s17;
	[tilespmem:s15+$0x2010] =	vst v1;
	v1 =	vand.u32 $0xFFFFFC00, v14;
	v13 =	vor.u32 s20, v13;
	v14 =	vshll.u32 v17, $0x3;
	v16 =	vld [tilespmem:s15+$0x120]  }
0x6d: {  	s21 =	sand.u32 $0x300, s21;
	[tilespmem:s15+$0x2020] =	vst v2;
	v1 =	vadd.s32 v1, v13;
	v2 =	vand.u32 $0xFFFFFC00, v14;
	v13 =	vand.u32 $0x7F, v17  }
0x6e: {  	[tilespmem:s15+$0x2030] =	vst v3;
	v3 =	vor.u32 s20, v13;
	s20 =	sor.u32 s19, s21;
	v13 =	vshll.u32 v18, $0x3;
	v14 =	vand.u32 $0x7F, v18;
	v17 =	vld [tilespmem:s15+$0x130]  }
0x6f: {  	[tilespmem:s15+$0x2040] =	vst v4;
	v2 =	vadd.s32 v2, v3;
	v3 =	vand.u32 $0xFFFFFC00, v13;
	v4 =	vor.u32 s20, v14  }
0x70: {  	[tilespmem:s15+$0x2050] =	vst v5;
	v3 =	vadd.s32 v3, v4;
	v4 =	vshll.u32 v15, $0x3;
	v5 =	vand.u32 $0x7F, v15;
	v13 =	vld [tilespmem:s15+$0x140]  }
0x71: {  	[tilespmem:s15+$0x2060] =	vst v6;
	v4 =	vand.u32 $0xFFFFFC00, v4;
	v5 =	vor.u32 s20, v5;
	v6 =	vshll.u32 v16, $0x3;
	v14 =	vld [tilespmem:s15+$0x150]  }
0x72: {  	[tilespmem:s15+$0x2070] =	vst v8;
	v4 =	vadd.s32 v4, v5;
	v5 =	vand.u32 $0xFFFFFC00, v6;
	v6 =	vand.u32 $0x7F, v16  }
0x73: {  	[tilespmem:s15+$0x2080] =	vst v7;
	v6 =	vor.u32 s20, v6;
	v7 =	vshll.u32 v17, $0x3;
	v8 =	vand.u32 $0x7F, v17;
	v15 =	vld [tilespmem:s15+$0x160]  }
0x74: {  	[tilespmem:s15+$0x2090] =	vst v9;
	v5 =	vadd.s32 v5, v6;
	v6 =	vand.u32 $0xFFFFFC00, v7;
	v7 =	vor.u32 s20, v8  }
0x75: {  	[tilespmem:s15+$0x20A0] =	vst v11;
	v6 =	vadd.s32 v6, v7;
	v7 =	vshll.u32 v13, $0x3;
	v8 =	vand.u32 $0x7F, v13;
	v9 =	vld [tilespmem:s15+$0x170]  }
0x76: {  	[tilespmem:s15+$0x20B0] =	vst v10;
	v7 =	vand.u32 $0xFFFFFC00, v7;
	v8 =	vor.u32 s20, v8;
	v10 =	vshll.u32 v14, $0x3;
	v11 =	vld [tilespmem:s15+$0x180]  }
0x77: {  	[tilespmem:s15+$0x20C0] =	vst v12;
	v7 =	vadd.s32 v7, v8;
	v8 =	vand.u32 $0xFFFFFC00, v10;
	v10 =	vand.u32 $0x7F, v14  }
0x78: {  	[tilespmem:s15+$0x20D0] =	vst v0;
	v0 =	vor.u32 s20, v10;
	v10 =	vshll.u32 v15, $0x3;
	v12 =	vand.u32 $0x7F, v15;
	v13 =	vld [tilespmem:s15+$0x190]  }
0x79: {  	[tilespmem:s15+$0x20E0] =	vst v1;
	v8 =	vadd.s32 v8, v0;
	v0 =	vand.u32 $0xFFFFFC00, v10;
	v1 =	vor.u32 s20, v12  }
0x7a: {  	s21 =	sadd.s32 $0x180, s17;
	[tilespmem:s15+$0x20F0] =	vst v2;
	v10 =	vadd.s32 v0, v1;
	v0 =	vshll.u32 v9, $0x3;
	v1 =	vand.u32 $0x7F, v9;
	v2 =	vld [tilespmem:s15+$0x1A0]  }
0x7b: {  	[tilespmem:s15+$0x2100] =	vst v3;
	v0 =	vand.u32 $0xFFFFFC00, v0;
	v1 =	vor.u32 s20, v1;
	s20 =	sand.u32 $0x380, s21;
	v3 =	vshll.u32 v11, $0x3;
	v9 =	vld [tilespmem:s15+$0x1B0]  }
0x7c: {  	[tilespmem:s15+$0x2110] =	vst v4;
	v0 =	vadd.s32 v0, v1;
	s19 =	sor.u32 s19, s20;
	v3 =	vand.u32 $0xFFFFFC00, v3;
	v1 =	vand.u32 $0x7F, v11  }
.Ltmp0:
0x7d: {  	[tilespmem:s15+$0x2120] =	vst v5;
	v4 =	vor.u32 s19, v1;
	v5 =	vshll.u32 v13, $0x3;
	v11 =	vand.u32 $0x7F, v13;
	v1 =	vld [tilespmem:s15+$0x1C0];
	(pc) =	sbr.rel @p0 .LBB2_2-.Ltmp0, $4  }
0x7e: {  	[tilespmem:s15+$0x2130] =	vst v6;
	v4 =	vadd.s32 v3, v4;
	v3 =	vand.u32 $0xFFFFFC00, v5;
	v5 =	vor.u32 s19, v11  }
0x7f: {  	[tilespmem:s15+$0x2140] =	vst v7;
	v5 =	vadd.s32 v3, v5;
	v6 =	vshll.u32 v2, $0x3;
	v2 =	vand.u32 $0x7F, v2;
	v3 =	vld [tilespmem:s15+$0x1D0]  }
0x80: {  	[tilespmem:s15+$0x2150] =	vst v8;
	v6 =	vand.u32 $0xFFFFFC00, v6;
	v7 =	vor.u32 s19, v2;
	v8 =	vshll.u32 v9, $0x3;
	v2 =	vld [tilespmem:s15+$0x1E0]  }
0x81: {  	s16 =	sadd.s32 $0x800, s16;
	[tilespmem:s15+$0x2160] =	vst v10;
	v6 =	vadd.s32 v6, v7;
	v7 =	vand.u32 $0xFFFFFC00, v8;
	v8 =	vand.u32 $0x7F, v9  }
0x82: {  	[tilespmem:s15+$0x2170] =	vst v0;
	v0 =	vor.u32 s19, v8;
	v8 =	vshll.u32 v1, $0x3;
	v1 =	vand.u32 $0x7F, v1;
	v9 =	vld [tilespmem:s15+$0x1F0]  }
0x83: {  	[tilespmem:s15+$0x2180] =	vst v4;
	v0 =	vadd.s32 v7, v0;
	v4 =	vand.u32 $0xFFFFFC00, v8;
	v1 =	vor.u32 s19, v1  }
0x84: {  	[tilespmem:s15+$0x2190] =	vst v5;
	v1 =	vadd.s32 v4, v1;
	v4 =	vshll.u32 v3, $0x3;
	v3 =	vand.u32 $0x7F, v3  }
0x85: {  	[tilespmem:s15+$0x21A0] =	vst v6;
	v4 =	vand.u32 $0xFFFFFC00, v4;
	v3 =	vor.u32 s19, v3;
	v5 =	vshll.u32 v2, $0x3  }
0x86: {  	[tilespmem:s15+$0x21B0] =	vst v0;
	v2 =	vand.u32 $0x7F, v2;
	v0 =	vadd.s32 v4, v3;
	v3 =	vand.u32 $0xFFFFFC00, v5  }
0x87: {  	[tilespmem:s15+$0x21C0] =	vst v1;
	v1 =	vor.u32 s19, v2;
	v2 =	vshll.u32 v9, $0x3;
	v4 =	vand.u32 $0x7F, v9  }
0x88: {  	[tilespmem:s15+$0x21D0] =	vst v0;
	v0 =	vadd.s32 v3, v1;
	v1 =	vand.u32 $0xFFFFFC00, v2;
	v2 =	vor.u32 s19, v4  }
0x89: {  	[tilespmem:s15+$0x21E0] =	vst v0;
	v0 =	vadd.s32 v1, v2  }
0x8a: {  	s16 =	sadd.s32 $0x2000, s15;
	s17 =	sadd.s32 $0x4000, s15;
	[tilespmem:s15+$0x21F0] =	vst v0  }
0x8b: {  	[tilespmem:s17], [sflag:$0x1] =	stream.indirect.gather [hbm4b:s1+s11], $0x1, s16, s11, $0xb8;
	[tilespmem:$0x8080] =	vst v63  }
0x8c: {  	s30 =	sadd.s32 $0x6000, s15  }
0x8d: {  	[tilespmem:s30], [sflag:$0x2] =	stream.indirect.gather [hbm4b:s3+s11], $0x1, s16, s11, $0xb8;
	[tilespmem:$0x8080] =	vst v63  }
0x8e: {  	_ =	swait.ge [sflag:s12], $0x200  }
0x8f: {  	[sflag:s12] =	ssyncset.done $0x0  }
0x90: {  	[sflag:s12] =	ssyncadd.s32 $0xFFFFFE00  }
0x91: {  	_ =	swait.ge [sflag:s12], $0x200  }
0x92: {  	[sflag:s12] =	ssyncset.done $0x0  }
0x93: {  	[sflag:s12] =	ssyncadd.s32 $0xFFFFFE00  }
0x94: {  	_ =	swait.ge [sflag:s12], $0x200  }
0x95: {  	[sflag:s12] =	ssyncset.done $0x0  }
0x96: {  	[sflag:s12] =	ssyncadd.s32 $0xFFFFFE00  }
0x97: {  	_ =	swait.ge [sflag:s12], $0x200  }
0x98: {  	[sflag:s12] =	ssyncset.done $0x0  }
0x99: {  	[sflag:s12] =	ssyncadd.s32 $0xFFFFFE00  }
0x9a: {  	_ =	swait.ge [sflag:s12], $0x200  }
0x9b: {  	[sflag:s12] =	ssyncset.done $0x0  }
0x9c: {  	[sflag:s12] =	ssyncadd.s32 $0xFFFFFE00  }
0x9d: {  	_ =	swait.ge [sflag:s12], $0x200  }
0x9e: {  	[sflag:s12] =	ssyncset.done $0x0  }
0x9f: {  	[sflag:s12] =	ssyncadd.s32 $0xFFFFFE00  }
0xa0: {  	_ =	swait.ge [sflag:s12], $0x200  }
0xa1: {  	[sflag:s12] =	ssyncset.done $0x0  }
0xa2: {  	[sflag:s12] =	ssyncadd.s32 $0xFFFFFE00  }
0xa3: {  	_ =	swait.ge [sflag:s12], $0x200  }
0xa4: {  	[sflag:s12] =	ssyncset.done $0x0  }
0xa5: {  	[sflag:s12] =	ssyncadd.s32 $0xFFFFFE00  }
0xa6: {  	_ =	swait.ge [sflag:s12], $0x200  }
0xa7: {  	[sflag:s12] =	ssyncset.done $0x0  }
0xa8: {  	[sflag:s12] =	ssyncadd.s32 $0xFFFFFE00  }
0xa9: {  	_ =	swait.ge [sflag:s12], $0x200  }
0xaa: {  	[sflag:s12] =	ssyncset.done $0x0  }
0xab: {  	[sflag:s12] =	ssyncadd.s32 $0xFFFFFE00  }
0xac: {  	_ =	swait.ge [sflag:s12], $0x200  }
0xad: {  	[sflag:s12] =	ssyncset.done $0x0  }
0xae: {  	[sflag:s12] =	ssyncadd.s32 $0xFFFFFE00  }
0xaf: {  	_ =	swait.ge [sflag:s12], $0x200  }
0xb0: {  	[sflag:s12] =	ssyncset.done $0x0  }
0xb1: {  	[sflag:s12] =	ssyncadd.s32 $0xFFFFFE00  }
0xb2: {  	_ =	swait.ge [sflag:s12], $0x200  }
0xb3: {  	[sflag:s12] =	ssyncset.done $0x0  }
0xb4: {  	[sflag:s12] =	ssyncadd.s32 $0xFFFFFE00  }
0xb5: {  	_ =	swait.ge [sflag:s12], $0x200  }
0xb6: {  	[sflag:s12] =	ssyncset.done $0x0  }
0xb7: {  	[sflag:s12] =	ssyncadd.s32 $0xFFFFFE00  }
0xb8: {  	_ =	swait.ge [sflag:s12], $0x200  }
0xb9: {  	[sflag:s12] =	ssyncset.done $0x0  }
0xba: {  	[sflag:s12] =	ssyncadd.s32 $0xFFFFFE00  }
0xbb: {  	_ =	swait.ge [sflag:s12], $0x200  }
0xbc: {  	[sflag:s12] =	ssyncset.done $0x0  }
0xbd: {  	s31 =	simm.s32 $0x0;
	[sflag:s12] =	ssyncadd.s32 $0xFFFFFE00  }
0xbe: {  	v1 =	vld [tilespmem:s31+$0x4070]  }
0xbf: {  	v2 =	vld [tilespmem:s31+$0x4000]  }
0xc0: {  	v3 =	vld [tilespmem:s31+$0x4010]  }
0xc1: {  	v9 =	vld [tilespmem:s31+$0x4020]  }
0xc2: {  	v5 =	vld [tilespmem:s31+$0x4030]  }
0xc3: {  	v10 =	vimm.f32 $0.0e+00;
	v0 =	vimm.f32 $0.0e+00;
	v6 =	vld [tilespmem:s31+$0x4040]  }
0xc4: {  	v7 =	vimm.f32 $0.0e+00;
	v8 =	vimm.f32 $0.0e+00;
	v11 =	vld [tilespmem:s31+$0x4050];
	v1 =	vadd.f32 v1, v0  }
0xc5: {  	v4 =	vimm.f32 $0.0e+00;
	s15 =	simm.s32 $0x80;
	s16 =	simm.s32 $0x400;
	v12 =	vld [tilespmem:s31+$0x4060];
	v2 =	vadd.f32 v2, v0;
	v3 =	vadd.f32 v3, v0  }
.LBB2_4:
0xc6: {  	p0 =	seq.s32 s16, $0x7E00;
	v13 =	vld [tilespmem:s15+$0x4070];
	v0 =	vadd.f32 v9, v0  }
0xc7: {  	v14 =	vld [tilespmem:s15+$0x4000];
	v4 =	vadd.f32 v5, v4  }
0xc8: {  	v15 =	vld [tilespmem:s15+$0x4010];
	v10 =	vadd.f32 v6, v10  }
.Ltmp1:
0xc9: {  	v9 =	vld [tilespmem:s15+$0x4020];
	v7 =	vadd.f32 v11, v7;
	(pc) =	sbr.rel @!p0 .LBB2_4-.Ltmp1, $4  }
0xca: {  	v5 =	vld [tilespmem:s15+$0x4030];
	v8 =	vadd.f32 v12, v8  }
0xcb: {  	v6 =	vld [tilespmem:s15+$0x4040];
	v1 =	vadd.f32 v13, v1  }
0xcc: {  	v2 =	vadd.f32 v14, v2;
	v11 =	vld [tilespmem:s15+$0x4050]  }
0xcd: {  	v3 =	vadd.f32 v15, v3;
	v12 =	vld [tilespmem:s15+$0x4060];
	s15 =	sshra.s32 s16, $0x2;
	s16 =	sadd.s32 $0x200, s16  }
0xce: {  	v13 =	vld [tilespmem:s15+$0x4070]  }
0xcf: {  	v14 =	vld [tilespmem:s15+$0x4000]  }
0xd0: {  	v15 =	vld [tilespmem:s15+$0x4010]  }
0xd1: {  	v16 =	vld [tilespmem:s15+$0x4020]  }
0xd2: {  	v17 =	vld [tilespmem:s15+$0x4030]  }
0xd3: {  	v18 =	vld [tilespmem:s15+$0x4040]  }
0xd4: {  	v19 =	vld [tilespmem:s15+$0x4050]  }
0xd5: {  	v20 =	vld [tilespmem:s15+$0x4060];
	_ =	swait.ge [sflag:s13], $0x200  }
0xd6: {  	[sflag:s13] =	ssyncset.done $0x0  }
0xd7: {  	[sflag:s13] =	ssyncadd.s32 $0xFFFFFE00  }
0xd8: {  	_ =	swait.ge [sflag:s13], $0x200  }
0xd9: {  	[sflag:s13] =	ssyncset.done $0x0  }
0xda: {  	[sflag:s13] =	ssyncadd.s32 $0xFFFFFE00  }
0xdb: {  	_ =	swait.ge [sflag:s13], $0x200  }
0xdc: {  	[sflag:s13] =	ssyncset.done $0x0  }
0xdd: {  	[sflag:s13] =	ssyncadd.s32 $0xFFFFFE00  }
0xde: {  	_ =	swait.ge [sflag:s13], $0x200  }
0xdf: {  	[sflag:s13] =	ssyncset.done $0x0  }
0xe0: {  	[sflag:s13] =	ssyncadd.s32 $0xFFFFFE00  }
0xe1: {  	_ =	swait.ge [sflag:s13], $0x200  }
0xe2: {  	[sflag:s13] =	ssyncset.done $0x0  }
0xe3: {  	[sflag:s13] =	ssyncadd.s32 $0xFFFFFE00  }
0xe4: {  	_ =	swait.ge [sflag:s13], $0x200  }
0xe5: {  	[sflag:s13] =	ssyncset.done $0x0  }
0xe6: {  	[sflag:s13] =	ssyncadd.s32 $0xFFFFFE00  }
0xe7: {  	_ =	swait.ge [sflag:s13], $0x200  }
0xe8: {  	[sflag:s13] =	ssyncset.done $0x0  }
0xe9: {  	[sflag:s13] =	ssyncadd.s32 $0xFFFFFE00  }
0xea: {  	_ =	swait.ge [sflag:s13], $0x200  }
0xeb: {  	[sflag:s13] =	ssyncset.done $0x0  }
0xec: {  	[sflag:s13] =	ssyncadd.s32 $0xFFFFFE00  }
0xed: {  	_ =	swait.ge [sflag:s13], $0x200  }
0xee: {  	[sflag:s13] =	ssyncset.done $0x0  }
0xef: {  	[sflag:s13] =	ssyncadd.s32 $0xFFFFFE00  }
0xf0: {  	_ =	swait.ge [sflag:s13], $0x200  }
0xf1: {  	[sflag:s13] =	ssyncset.done $0x0  }
0xf2: {  	[sflag:s13] =	ssyncadd.s32 $0xFFFFFE00  }
0xf3: {  	_ =	swait.ge [sflag:s13], $0x200  }
0xf4: {  	[sflag:s13] =	ssyncset.done $0x0  }
0xf5: {  	[sflag:s13] =	ssyncadd.s32 $0xFFFFFE00  }
0xf6: {  	_ =	swait.ge [sflag:s13], $0x200  }
0xf7: {  	[sflag:s13] =	ssyncset.done $0x0  }
0xf8: {  	[sflag:s13] =	ssyncadd.s32 $0xFFFFFE00  }
0xf9: {  	_ =	swait.ge [sflag:s13], $0x200  }
0xfa: {  	[sflag:s13] =	ssyncset.done $0x0  }
0xfb: {  	[sflag:s13] =	ssyncadd.s32 $0xFFFFFE00  }
0xfc: {  	_ =	swait.ge [sflag:s13], $0x200  }
0xfd: {  	[sflag:s13] =	ssyncset.done $0x0  }
0xfe: {  	[sflag:s13] =	ssyncadd.s32 $0xFFFFFE00  }
0xff: {  	_ =	swait.ge [sflag:s13], $0x200  }
0x100: {  	[sflag:s13] =	ssyncset.done $0x0  }
0x101: {  	[sflag:s13] =	ssyncadd.s32 $0xFFFFFE00  }
0x102: {  	_ =	swait.ge [sflag:s13], $0x200  }
0x103: {  	v9 =	vadd.f32 v9, v0;
	[sflag:s13] =	ssyncset.done $0x0  }
0x104: {  	s17 =	simm.s32 $0x0;
	v4 =	vadd.f32 v5, v4;
	v10 =	vadd.f32 v6, v10;
	[sflag:s13] =	ssyncadd.s32 $0xFFFFFE00  }
0x105: {  	v11 =	vadd.f32 v11, v7;
	v5 =	vadd.f32 v16, v9;
	v9 =	vld [tilespmem:s17+$0x6070]  }
0x106: {  	v6 =	vadd.f32 v15, v3;
	v3 =	vadd.f32 v18, v10;
	v10 =	vld [tilespmem:s17+$0x6000]  }
0x107: {  	v7 =	vadd.f32 v14, v2;
	v2 =	vadd.f32 v19, v11;
	v11 =	vld [tilespmem:s17+$0x6010]  }
0x108: {  	v8 =	vadd.f32 v12, v8;
	v15 =	vld [tilespmem:s17+$0x6020]  }
0x109: {  	v12 =	vimm.f32 $0.0e+00;
	v0 =	vadd.f32 v13, v1;
	v16 =	vld [tilespmem:s17+$0x6030]  }
0x10a: {  	v4 =	vadd.f32 v17, v4;
	v1 =	vadd.f32 v20, v8;
	v8 =	vimm.f32 $0.0e+00;
	v13 =	vld [tilespmem:s17+$0x6040]  }
0x10b: {  	v17 =	vimm.f32 $0.0e+00;
	v18 =	vimm.f32 $0.0e+00;
	v19 =	vld [tilespmem:s17+$0x6050];
	v9 =	vadd.f32 v9, v8  }
0x10c: {  	s15 =	simm.s32 $0x80;
	s16 =	simm.s32 $0x400;
	v14 =	vimm.f32 $0.0e+00;
	v20 =	vld [tilespmem:s17+$0x6060];
	v10 =	vadd.f32 v10, v8;
	v11 =	vadd.f32 v11, v8  }
.LBB2_6:
0x10d: {  	p0 =	sne.s32 s16, $0x7E00;
	v21 =	vld [tilespmem:s15+$0x6070];
	v8 =	vadd.f32 v15, v8  }
0x10e: {  	v22 =	vld [tilespmem:s15+$0x6000];
	v12 =	vadd.f32 v16, v12  }
0x10f: {  	v23 =	vld [tilespmem:s15+$0x6010];
	v17 =	vadd.f32 v13, v17  }
.Ltmp2:
0x110: {  	v15 =	vld [tilespmem:s15+$0x6020];
	v18 =	vadd.f32 v19, v18;
	(pc) =	sbr.rel @p0 .LBB2_6-.Ltmp2, $4  }
0x111: {  	v16 =	vld [tilespmem:s15+$0x6030];
	v14 =	vadd.f32 v20, v14  }
0x112: {  	v13 =	vld [tilespmem:s15+$0x6040];
	v9 =	vadd.f32 v21, v9  }
0x113: {  	v10 =	vadd.f32 v22, v10;
	v19 =	vld [tilespmem:s15+$0x6050]  }
0x114: {  	v11 =	vadd.f32 v23, v11;
	v20 =	vld [tilespmem:s15+$0x6060];
	s15 =	sshra.s32 s16, $0x2;
	s16 =	sadd.s32 $0x200, s16  }
0x115: {  	v21 =	vld [tilespmem:s15+$0x6070]  }
0x116: {  	v22 =	vld [tilespmem:s15+$0x6000]  }
0x117: {  	v23 =	vld [tilespmem:s15+$0x6010]  }
0x118: {  	v24 =	vld [tilespmem:s15+$0x6020]  }
0x119: {  	v25 =	vld [tilespmem:s15+$0x6030]  }
0x11a: {  	v26 =	vld [tilespmem:s15+$0x6040]  }
0x11b: {  	v8 =	vadd.f32 v15, v8;
	v47 =	vld [tilespmem:s15+$0x6050];
	v12 =	vadd.f32 v16, v12  }
0x11c: {  	v49 =	vld [tilespmem:s15+$0x6060];
	v13 =	vadd.f32 v13, v17;
	v48 =	vadd.f32 v19, v18  }
0x11d: {  	v14 =	vadd.f32 v20, v14;
	v9 =	vadd.f32 v21, v9  }
0x11e: {  	v10 =	vadd.f32 v22, v10;
	v11 =	vadd.f32 v23, v11  }
0x11f: {  	v8 =	vadd.f32 v24, v8;
	v12 =	vadd.f32 v25, v12  }
0x120: {  	v13 =	vadd.f32 v26, v13;
	v15 =	vadd.f32 v47, v48;
	vm4 =	vgt.f32 v10, $0.0e+00  }
0x121: {  	v14 =	vadd.f32 v49, v14;
	vm5 =	vgt.f32 v11, $0.0e+00;
	v10 =	vnsel vm4, $0x3F800000, v10  }
0x122: {  	vm6 =	vgt.f32 v8, $0.0e+00;
	v50 =	vnsel vm5, $0x3F800000, v11;
	(erf) = vrcp.f32 v10  }
0x123: {  	vm7 =	vgt.f32 v12, $0.0e+00;
	v8 =	vnsel vm6, $0x3F800000, v8;
	(erf) = vrcp.f32 v50  }
0x124: {  	vm3 =	vgt.f32 v13, $0.0e+00;
	v51 =	vnsel vm7, $0x3F800000, v12;
	(erf) = vrcp.f32 v8  }
0x125: {  	vm0 =	vgt.f32 v15, $0.0e+00;
	v52 =	vnsel vm3, $0x3F800000, v13;
	(erf) = vrcp.f32 v51  }
0x126: {  	v53 =	vnsel vm0, $0x3F800000, v15;
	vm1 =	vgt.f32 v14, $0.0e+00;
	(erf) = vrcp.f32 v52  }
0x127: {  	vm2 =	vgt.f32 v9, $0.0e+00;
	v54 =	vnsel vm1, $0x3F800000, v14;
	(erf) = vrcp.f32 v53  }
0x128: {  	v55 =	vnsel vm2, $0x3F800000, v9;
	(erf) = vrcp.f32 v54  }
0x129: {  	(erf) = vrcp.f32 v55;
	_ =	sdelay $0x1  }
0x12a: {  	v56 =	vpop (erf)  }
0x12b: {  	v57 =	vpop (erf);
	v7 =	vmul.f32 v56, v7  }
0x12c: {  	v58 =	vpop (erf);
	v6 =	vmul.f32 v57, v6  }
0x12d: {  	v7 =	vnsel vm4, $0x0, v7;
	v59 =	vpop (erf);
	v5 =	vmul.f32 v58, v5  }
0x12e: {  	v6 =	vnsel vm5, $0x0, v6;
	v60 =	vpop (erf);
	[tilespmem:$0x8000] =	vst v7;
	v4 =	vmul.f32 v59, v4  }
0x12f: {  	v5 =	vnsel vm6, $0x0, v5;
	v61 =	vpop (erf);
	[tilespmem:$0x8010] =	vst v6;
	v3 =	vmul.f32 v60, v3  }
0x130: {  	v4 =	vnsel vm7, $0x0, v4;
	v62 =	vpop (erf);
	[tilespmem:$0x8020] =	vst v5;
	v2 =	vmul.f32 v61, v2  }
0x131: {  	v3 =	vnsel vm3, $0x0, v3;
	[tilespmem:$0x8030] =	vst v4;
	v1 =	vmul.f32 v62, v1;
	v63 =	vpop (erf)  }
0x132: {  	v2 =	vnsel vm0, $0x0, v2;
	[tilespmem:$0x8040] =	vst v3;
	v0 =	vmul.f32 v63, v0  }
0x133: {  	s14 =	sadd.s32 $0x1, s14;
	v1 =	vnsel vm1, $0x0, v1;
	[tilespmem:$0x8050] =	vst v2  }
0x134: {  	p0 =	sne.s32 s14, s7;
	[tilespmem:$0x8060] =	vst v1;
	v0 =	vnsel vm2, $0x0, v0  }
.Ltmp3:
0x135: {  	[tilespmem:$0x8070] =	vst v0;
	(pc) =	sbr.rel @p0 .LBB2_1-.Ltmp3, $4  }
0x136: {  	[hbm4b:s6+s4] =	stream.linear.scatter [tilespmem:s9], [sflag:$0x3], $0x80, $0x38;
	[tilespmem:$0x8080] =	vst v63  }
0x137: {  	_ =	swait.ge [sflag:s10], $0x80  }
0x138: {  	[sflag:s10] =	ssyncset.done $0x0  }
0x139: {  	[sflag:s10] =	ssyncadd.s32 $0xFFFFFF80  }
0x13a: {  	_ =	sfence.sel $0x180000  }
0x13b: {  	[bflag:$0x0] =	sbarrier.arrive $0xFFFF  }
0x13c: {  	p0 =	sne.s32 s2, $0x0;
	_ =	strace $0x90000047  }
0x13d: {  	s0 =	sadd.s32 @!p0 $0x100000, s0;
	[bflag:$0x2] =	sbarrier.arrive $0xFFFF  }
0x13e: {  	[sflag:s0] =	ssyncadd.tile.s32 @!p0 $0x1;
	_ =	shalt  }
.Lfunc_end2:
_tile_overlayer_lowered:
.L_overlay_start_2:
0x13f: {  	(tag) =	ssettag $0x2  }
0x140: {  	s0 =	rddreg [dreg:$0x0];
	s2 =	stileid.u32  }
0x141: {  	s1 =	rddreg [dreg:$0x1];
	p0 =	sne.s32 s2, $0x0  }
0x142: {  	s3 =	rddreg [dreg:$0x2];
	[bflag:$0x3] =	sbarrier.arrive $0xFFFF;
	s2 =	simm.s32 @!p0 $0x1C03  }
0x143: {  	[timem:s3], [sflag:s2] =	dma.local @!p0 [hbm:s0], s1  }
0x144: {  	s0 =	simm.s32 @!p0 $0x3  }
0x145: {  	_ =	swait.ge @!p0 [sflag:s0], s1  }
0x146: {  	s1 =	ssub.s32 @!p0 $0x0, s1;
	[sflag:s0] =	ssyncset.done @!p0 $0x0  }
0x147: {  	[sflag:s0] =	ssyncadd.s32 @!p0 s1  }
0x148: {  	[bflag:$0x3] =	sbarrier.arrive $0xFFFF  }
0x149: {  	_ =	shalt  }

</sc_bundles>
